<compile_context>
chip_gen: v7x
topology: tpu7x:2x2x1
jax: 0.10.2.dev20260603
libtpu: 0.0.44.dev20260713+nightly
codegen_flags: <defaults>
</compile_context>

<pallas_src>
import jax
import jax.numpy as jnp
import numpy as np
from jax.experimental import pallas as pl
from jax.experimental.pallas import tpu as pltpu

C = 384
H = W = 224
N = H * W
HEADS = 12
HD = C // HEADS
NT = 28
TILES = NT * NT
NS = NT + 1
SLAB = 128
HDP = HD + 8
CP = HEADS * HDP

def _make_mask() -> np.ndarray:
    p = np.arange(64)
    e = np.arange(256)
    py, px = np.divmod(p, 8)
    half, rem = np.divmod(e, 128)
    ey, ix = np.divmod(rem, 8)
    ex = half * 8 + ix
    dy = ey[None, :] - py[:, None]
    dx = ex[None, :] - px[:, None]
    valid = (dy >= 0) & (dy <= 7) & (dx >= 0) & (dx <= 7)
    return np.where(valid, 0.0, -1e9).astype(np.float32)


_MASK = _make_mask()


def _fused_body(x0_ref, x1_ref, m_ref, wq_ref, wk_ref, wv_ref, wp_ref,
                bq_ref, bk_ref, bv_ref, bp_ref, o_ref,
                xs_scr, xq_scr, ks_scr, vs_scr, qs_scr, ob_scr):
    for txx in range(NS):
        p0 = x0_ref[:, pl.ds(8 * txx, 8), :].reshape(64, C)
        p1 = x1_ref[:, pl.ds(8 * txx, 8), :].reshape(64, C)
        xs_scr[pl.ds(SLAB * txx, 64)] = p0
        xs_scr[pl.ds(SLAB * txx + 64, 64)] = p1
    for tx in range(NT):
        c0 = x0_ref[4:8, pl.ds(8 * tx + 4, 8), :].reshape(32, C)
        c1 = x1_ref[0:4, pl.ds(8 * tx + 4, 8), :].reshape(32, C)
        xq_scr[pl.ds(64 * tx, 32)] = c0
        xq_scr[pl.ds(64 * tx + 32, 32)] = c1

    nt = (((1,), (1,)), ((), ()))
    ks_scr[...] = (jax.lax.dot_general(
        wk_ref[...], xs_scr[...], nt, preferred_element_type=jnp.float32)
        + bk_ref[...]).astype(jnp.bfloat16)
    vs_scr[...] = (jax.lax.dot_general(
        wv_ref[...], xs_scr[...], nt, preferred_element_type=jnp.float32)
        + bv_ref[...]).astype(jnp.bfloat16)
    qs_scr[...] = (jax.lax.dot_general(
        wq_ref[...], xq_scr[...], nt, preferred_element_type=jnp.float32)
        + bq_ref[...]).astype(jnp.bfloat16)

    mask = m_ref[...]
    for tx in range(NT):
        qt = qs_scr[:, pl.ds(64 * tx, 64)].reshape(HEADS, HD, 64)
        kt = ks_scr[:, pl.ds(SLAB * tx, 256)].reshape(HEADS, HD, 256)
        vt = vs_scr[:, pl.ds(SLAB * tx, 256)].reshape(HEADS, HDP, 256)
        s = jax.lax.dot_general(qt, kt, (((1,), (1,)), ((0,), (0,))),
                                preferred_element_type=jnp.float32)
        eb = jnp.exp(s + mask[None]).astype(jnp.bfloat16)
        ot = jax.lax.dot_general(vt, eb, (((2,), (2,)), ((0,), (0,))),
                                 preferred_element_type=jnp.float32)
        ot = ot[:, 0:HD, :] / ot[:, HD:HD + 1, :]
        ob_scr[:, pl.ds(64 * tx, 64)] = ot.reshape(C, 64).astype(jnp.bfloat16)

    pt = jax.lax.dot_general(wp_ref[...], ob_scr[...], (((1,), (0,)), ((), ())),
                             preferred_element_type=jnp.float32)
    o_ref[0] = (pt + bp_ref[...]).astype(jnp.bfloat16)


@jax.jit
def kernel(vid, Wq, bq, Wk, bk, Wv, bv, Wp, bp):
    scale = HD ** (-0.5)
    xt = vid.reshape(C, N).T.astype(jnp.bfloat16).reshape(H, W, C)
    xp = jnp.pad(xt, ((4, 4), (4, 4), (0, 0)), mode='reflect')

    mask = jnp.asarray(_MASK)
    wq_b = (Wq * scale).astype(jnp.bfloat16)
    wk_b = Wk.astype(jnp.bfloat16)
    wv_b = jnp.pad(Wv.reshape(HEADS, HD, C),
                   ((0, 0), (0, 8), (0, 0))).reshape(CP, C).astype(jnp.bfloat16)
    bv2 = jnp.concatenate(
        [bv.reshape(HEADS, HD), jnp.ones((HEADS, 1), jnp.float32),
         jnp.zeros((HEADS, 7), jnp.float32)], axis=1).reshape(CP, 1)
    wp_b = Wp.astype(jnp.bfloat16)
    bq2 = (bq * scale).reshape(C, 1)
    bk2 = bk.reshape(C, 1)
    bp2 = bp.reshape(C, 1)

    cst = lambda shape: pl.BlockSpec(shape, lambda j: tuple(0 for _ in shape))
    out = pl.pallas_call(
        _fused_body,
        grid=(NT,),
        in_specs=[
            pl.BlockSpec((8, 232, C), lambda j: (j, 0, 0)),
            pl.BlockSpec((8, 232, C), lambda j: (j + 1, 0, 0)),
            cst((64, 256)),
            cst((C, C)), cst((C, C)), cst((CP, C)), cst((C, C)),
            cst((C, 1)), cst((C, 1)), cst((CP, 1)), cst((C, 1)),
        ],
        out_specs=pl.BlockSpec((1, C, NT * 64), lambda j: (j, 0, 0)),
        out_shape=jax.ShapeDtypeStruct((NT, C, NT * 64), jnp.bfloat16),
        scratch_shapes=[
            pltpu.VMEM((NS * SLAB, C), jnp.bfloat16),
            pltpu.VMEM((NT * 64, C), jnp.bfloat16),
            pltpu.VMEM((C, NS * SLAB), jnp.bfloat16),
            pltpu.VMEM((CP, NS * SLAB), jnp.bfloat16),
            pltpu.VMEM((C, NT * 64), jnp.bfloat16),
            pltpu.VMEM((C, NT * 64), jnp.bfloat16),
        ],
    )(xp, xp, mask, wq_b, wk_b, wv_b, wp_b, bq2, bk2, bv2, bp2)

    o4 = out.astype(jnp.float32).reshape(NT, C, NT, 8, 8)
    o4 = o4.transpose(1, 0, 3, 2, 4).reshape(C, H, W)
    return o4.reshape(1, 1, C, H, W)

# --- scband reference (transcript-rebuilt; emitter-appended) ---
"""Pipeline reference for scband-product-attention-20194936225916 (READ-ONLY COPY).

The authoritative reference and input builder live on the scoring server;
editing this copy changes nothing except your own understanding.
"""

import jax, jax.numpy as jnp
import numpy as np

DIM = 384
HEADS = 12
WS = 8
B, T, H, W = 1, 1, 224, 224


def setup_inputs(seed: int = 0) -> dict:
    key = jax.random.key(seed)
    ks = jax.random.split(key, 9)
    C = DIM
    vid = jax.random.normal(ks[0], (B, T, C, H, W), dtype=jnp.float32)
    Wq = jax.random.normal(ks[1], (C, C), dtype=jnp.float32) * 0.02
    bq = jnp.zeros((C,), dtype=jnp.float32)
    Wk = jax.random.normal(ks[2], (C, C), dtype=jnp.float32) * 0.02
    bk = jnp.zeros((C,), dtype=jnp.float32)
    Wv = jax.random.normal(ks[3], (C, C), dtype=jnp.float32) * 0.02
    bv = jnp.zeros((C,), dtype=jnp.float32)
    Wp = jax.random.normal(ks[4], (C, C), dtype=jnp.float32) * 0.02
    bp = jnp.zeros((C,), dtype=jnp.float32)
    return {"vid": vid, "Wq": Wq, "bq": bq, "Wk": Wk, "bk": bk, "Wv": Wv, "bv": bv, "Wp": Wp, "bp": bp}


def _forward(vid, Wq, bq, Wk, bk, Wv, bv, Wp, bp):
    b, t, C, h, w = vid.shape
    heads = HEADS
    hd = C // heads
    scale = hd ** (-0.5)
    ws = WS
    pad = ws // 2
    x = vid.reshape(b * t, C, h, w)

    def proj1x1(z, Wt, bt):
        return jnp.einsum('bchw,oc->bohw', z, Wt) + bt[None, :, None, None]

    # get_qkv: conv projection, q scaled by head_dim**-0.5
    q = proj1x1(x, Wq, bq) * scale
    k = proj1x1(x, Wk, bk)
    v = proj1x1(x, Wv, bv)
    q = q.reshape(b * t, heads, hd, h, w)
    k = k.reshape(b * t, heads, hd, h, w)
    v = v.reshape(b * t, heads, hd, h, w)

    # run_search: product-space non-local search over ws x ws window,
    # stride0=stride1=1, ps=pt=1 -> per-pixel dot products; reflect_bounds=True
    kp = jnp.pad(k, ((0, 0), (0, 0), (0, 0), (pad, pad), (pad, pad)), mode='reflect')
    vp = jnp.pad(v, ((0, 0), (0, 0), (0, 0), (pad, pad), (pad, pad)), mode='reflect')
    offsets = [(dy, dx) for dy in range(-pad, pad) for dx in range(-pad, pad)]
    dists = []
    for dy, dx in offsets:
        ksl = jax.lax.dynamic_slice(kp, (0, 0, 0, pad + dy, pad + dx), (b * t, heads, hd, h, w))
        dists.append(jnp.sum(q * ksl, axis=2))
    dists = jnp.stack(dists, axis=-1)  # [bt, heads, h, w, ws*ws]

    # run_softmax
    attn = jax.nn.softmax(dists, axis=-1)

    # run_aggregation: weighted patch sum with ps=1 -> per-pixel weighted sum of v
    out = jnp.zeros((b * t, heads, hd, h, w), dtype=vid.dtype)
    for i, (dy, dx) in enumerate(offsets):
        vsl = jax.lax.dynamic_slice(vp, (0, 0, 0, pad + dy, pad + dx), (b * t, heads, hd, h, w))
        out = out + attn[:, :, None, :, :, i] * vsl

    # rearrange 'b h (o n) c ph pw -> (b o ph pw) n (h c)' with ps=1, n=1
    out = out.reshape(b * t, C, h, w)
    tokens = jnp.transpose(out, (0, 2, 3, 1)).reshape(-1, C)

    # proj (nn.Linear)
    tokens = tokens @ Wp.T + bp

    # run_fold: ps=1, stride0=1 -> exact inverse reshape, zvid == 1 everywhere
    vid_out = tokens.reshape(b * t, h, w, C)
    vid_out = jnp.transpose(vid_out, (0, 3, 1, 2)).reshape(b, t, C, h, w)
    return vid_out


def reference(vid, Wq, bq, Wk, bk, Wv, bv, Wp, bp):
    return _forward(vid, Wq, bq, Wk, bk, Wv, bv, Wp, bp)

if __name__ == "__main__":
    import jax
    _d = setup_inputs()
    print(jax.jit(kernel)(*tuple(_d.values())))

</pallas_src>

<mosaic_0001>
module attributes {stable_mosaic.version = 14 : i64} {
  func.func @_fused_body(%arg0: i32, %arg1: memref<8x232x384xbf16, #tpu.memory_space<vmem>>, %arg2: memref<8x232x384xbf16, #tpu.memory_space<vmem>>, %arg3: memref<64x256xf32, #tpu.memory_space<vmem>>, %arg4: memref<384x384xbf16, #tpu.memory_space<vmem>>, %arg5: memref<384x384xbf16, #tpu.memory_space<vmem>>, %arg6: memref<480x384xbf16, #tpu.memory_space<vmem>>, %arg7: memref<384x384xbf16, #tpu.memory_space<vmem>>, %arg8: memref<384x1xf32, #tpu.memory_space<vmem>>, %arg9: memref<384x1xf32, #tpu.memory_space<vmem>>, %arg10: memref<480x1xf32, #tpu.memory_space<vmem>>, %arg11: memref<384x1xf32, #tpu.memory_space<vmem>>, %arg12: memref<1x384x1792xbf16, #tpu.memory_space<vmem>>, %arg13: memref<3712x384xbf16, #tpu.memory_space<vmem>>, %arg14: memref<1792x384xbf16, #tpu.memory_space<vmem>>, %arg15: memref<384x3712xbf16, #tpu.memory_space<vmem>>, %arg16: memref<480x3712xbf16, #tpu.memory_space<vmem>>, %arg17: memref<384x1792xbf16, #tpu.memory_space<vmem>>, %arg18: memref<384x1792xbf16, #tpu.memory_space<vmem>>) attributes {dimension_semantics = [#tpu.dimension_semantics<arbitrary>], iteration_bounds = array<i64: 28>, scalar_prefetch = 0 : i64, scratch_operands = 6 : i64, tpu.core_type = #tpu.core_type<tc>, window_params = [{transform_indices = @transform_0, window_bounds = array<i64: 8, 232, 384>}, {transform_indices = @transform_1, window_bounds = array<i64: 8, 232, 384>}, {pipeline_mode = #tpu.pipeline_mode<synchronous>, transform_indices = @transform_2, window_bounds = array<i64: 64, 256>}, {pipeline_mode = #tpu.pipeline_mode<synchronous>, transform_indices = @transform_3, window_bounds = array<i64: 384, 384>}, {pipeline_mode = #tpu.pipeline_mode<synchronous>, transform_indices = @transform_4, window_bounds = array<i64: 384, 384>}, {pipeline_mode = #tpu.pipeline_mode<synchronous>, transform_indices = @transform_5, window_bounds = array<i64: 480, 384>}, {pipeline_mode = #tpu.pipeline_mode<synchronous>, transform_indices = @transform_6, window_bounds = array<i64: 384, 384>}, {pipeline_mode = #tpu.pipeline_mode<synchronous>, transform_indices = @transform_7, window_bounds = array<i64: 384, 1>}, {pipeline_mode = #tpu.pipeline_mode<synchronous>, transform_indices = @transform_8, window_bounds = array<i64: 384, 1>}, {pipeline_mode = #tpu.pipeline_mode<synchronous>, transform_indices = @transform_9, window_bounds = array<i64: 480, 1>}, {pipeline_mode = #tpu.pipeline_mode<synchronous>, transform_indices = @transform_10, window_bounds = array<i64: 384, 1>}, {transform_indices = @transform_11, window_bounds = array<i64: 1, 384, 1792>}]} {
    %get3A = arith.constant 0 : index
    %get3A_0 = arith.constant 0 : index
    %get3A_1 = arith.constant 0 : index
    %get3A_2 = vector.load %arg1[%get3A, %get3A_0, %get3A_1] : memref<8x232x384xbf16, #tpu.memory_space<vmem>>, vector<8x8x384xbf16>
    %reshape3A = vector.shape_cast %get3A_2 : vector<8x8x384xbf16> to vector<64x384xbf16>
    %get3A_3 = arith.constant 0 : index
    %get3A_4 = arith.constant 0 : index
    %get3A_5 = arith.constant 0 : index
    %get3A_6 = vector.load %arg2[%get3A_3, %get3A_4, %get3A_5] : memref<8x232x384xbf16, #tpu.memory_space<vmem>>, vector<8x8x384xbf16>
    %reshape3A_7 = vector.shape_cast %get3A_6 : vector<8x8x384xbf16> to vector<64x384xbf16>
    %swap3A = arith.constant 0 : index
    %swap3A_8 = arith.constant 0 : index
    %swap3A_9 = vector.load %arg13[%swap3A, %swap3A_8] : memref<3712x384xbf16, #tpu.memory_space<vmem>>, vector<64x384xbf16>
    tpu.vector_store %arg13[%swap3A, %swap3A_8], %reshape3A {strides = array<i32>} : memref<3712x384xbf16, #tpu.memory_space<vmem>>, vector<64x384xbf16>,
    %swap3A_10 = arith.constant 64 : index
    %swap3A_11 = arith.constant 0 : index
    %swap3A_12 = vector.load %arg13[%swap3A_10, %swap3A_11] : memref<3712x384xbf16, #tpu.memory_space<vmem>>, vector<64x384xbf16>
    tpu.vector_store %arg13[%swap3A_10, %swap3A_11], %reshape3A_7 {strides = array<i32>} : memref<3712x384xbf16, #tpu.memory_space<vmem>>, vector<64x384xbf16>,
    %get3A_13 = arith.constant 0 : index
    %get3A_14 = arith.constant 8 : index
    %get3A_15 = arith.constant 0 : index
    %get3A_16 = vector.load %arg1[%get3A_13, %get3A_14, %get3A_15] : memref<8x232x384xbf16, #tpu.memory_space<vmem>>, vector<8x8x384xbf16>
    %reshape3A_17 = vector.shape_cast %get3A_16 : vector<8x8x384xbf16> to vector<64x384xbf16>
    %get3A_18 = arith.constant 0 : index
    %get3A_19 = arith.constant 8 : index
    %get3A_20 = arith.constant 0 : index
    %get3A_21 = vector.load %arg2[%get3A_18, %get3A_19, %get3A_20] : memref<8x232x384xbf16, #tpu.memory_space<vmem>>, vector<8x8x384xbf16>
    %reshape3A_22 = vector.shape_cast %get3A_21 : vector<8x8x384xbf16> to vector<64x384xbf16>
    %swap3A_23 = arith.constant 128 : index
    %swap3A_24 = arith.constant 0 : index
    %swap3A_25 = vector.load %arg13[%swap3A_23, %swap3A_24] : memref<3712x384xbf16, #tpu.memory_space<vmem>>, vector<64x384xbf16>
    tpu.vector_store %arg13[%swap3A_23, %swap3A_24], %reshape3A_17 {strides = array<i32>} : memref<3712x384xbf16, #tpu.memory_space<vmem>>, vector<64x384xbf16>,
    %swap3A_26 = arith.constant 192 : index
    %swap3A_27 = arith.constant 0 : index
    %swap3A_28 = vector.load %arg13[%swap3A_26, %swap3A_27] : memref<3712x384xbf16, #tpu.memory_space<vmem>>, vector<64x384xbf16>
    tpu.vector_store %arg13[%swap3A_26, %swap3A_27], %reshape3A_22 {strides = array<i32>} : memref<3712x384xbf16, #tpu.memory_space<vmem>>, vector<64x384xbf16>,
    %get3A_29 = arith.constant 0 : index
    %get3A_30 = arith.constant 16 : index
    %get3A_31 = arith.constant 0 : index
    %get3A_32 = vector.load %arg1[%get3A_29, %get3A_30, %get3A_31] : memref<8x232x384xbf16, #tpu.memory_space<vmem>>, vector<8x8x384xbf16>
    %reshape3A_33 = vector.shape_cast %get3A_32 : vector<8x8x384xbf16> to vector<64x384xbf16>
    %get3A_34 = arith.constant 0 : index
    %get3A_35 = arith.constant 16 : index
    %get3A_36 = arith.constant 0 : index
    %get3A_37 = vector.load %arg2[%get3A_34, %get3A_35, %get3A_36] : memref<8x232x384xbf16, #tpu.memory_space<vmem>>, vector<8x8x384xbf16>
    %reshape3A_38 = vector.shape_cast %get3A_37 : vector<8x8x384xbf16> to vector<64x384xbf16>
    %swap3A_39 = arith.constant 256 : index
    %swap3A_40 = arith.constant 0 : index
    %swap3A_41 = vector.load %arg13[%swap3A_39, %swap3A_40] : memref<3712x384xbf16, #tpu.memory_space<vmem>>, vector<64x384xbf16>
    tpu.vector_store %arg13[%swap3A_39, %swap3A_40], %reshape3A_33 {strides = array<i32>} : memref<3712x384xbf16, #tpu.memory_space<vmem>>, vector<64x384xbf16>,
    %swap3A_42 = arith.constant 320 : index
    %swap3A_43 = arith.constant 0 : index
    %swap3A_44 = vector.load %arg13[%swap3A_42, %swap3A_43] : memref<3712x384xbf16, #tpu.memory_space<vmem>>, vector<64x384xbf16>
    tpu.vector_store %arg13[%swap3A_42, %swap3A_43], %reshape3A_38 {strides = array<i32>} : memref<3712x384xbf16, #tpu.memory_space<vmem>>, vector<64x384xbf16>,
    %get3A_45 = arith.constant 0 : index
    %get3A_46 = arith.constant 24 : index
    %get3A_47 = arith.constant 0 : index
    %get3A_48 = vector.load %arg1[%get3A_45, %get3A_46, %get3A_47] : memref<8x232x384xbf16, #tpu.memory_space<vmem>>, vector<8x8x384xbf16>
    %reshape3A_49 = vector.shape_cast %get3A_48 : vector<8x8x384xbf16> to vector<64x384xbf16>
    %get3A_50 = arith.constant 0 : index
    %get3A_51 = arith.constant 24 : index
    %get3A_52 = arith.constant 0 : index
    %get3A_53 = vector.load %arg2[%get3A_50, %get3A_51, %get3A_52] : memref<8x232x384xbf16, #tpu.memory_space<vmem>>, vector<8x8x384xbf16>
    %reshape3A_54 = vector.shape_cast %get3A_53 : vector<8x8x384xbf16> to vector<64x384xbf16>
    %swap3A_55 = arith.constant 384 : index
    %swap3A_56 = arith.constant 0 : index
    %swap3A_57 = vector.load %arg13[%swap3A_55, %swap3A_56] : memref<3712x384xbf16, #tpu.memory_space<vmem>>, vector<64x384xbf16>
    tpu.vector_store %arg13[%swap3A_55, %swap3A_56], %reshape3A_49 {strides = array<i32>} : memref<3712x384xbf16, #tpu.memory_space<vmem>>, vector<64x384xbf16>,
    %swap3A_58 = arith.constant 448 : index
    %swap3A_59 = arith.constant 0 : index
    %swap3A_60 = vector.load %arg13[%swap3A_58, %swap3A_59] : memref<3712x384xbf16, #tpu.memory_space<vmem>>, vector<64x384xbf16>
    tpu.vector_store %arg13[%swap3A_58, %swap3A_59], %reshape3A_54 {strides = array<i32>} : memref<3712x384xbf16, #tpu.memory_space<vmem>>, vector<64x384xbf16>,
    %get3A_61 = arith.constant 0 : index
    %get3A_62 = arith.constant 32 : index
    %get3A_63 = arith.constant 0 : index
    %get3A_64 = vector.load %arg1[%get3A_61, %get3A_62, %get3A_63] : memref<8x232x384xbf16, #tpu.memory_space<vmem>>, vector<8x8x384xbf16>
    %reshape3A_65 = vector.shape_cast %get3A_64 : vector<8x8x384xbf16> to vector<64x384xbf16>
    %get3A_66 = arith.constant 0 : index
    %get3A_67 = arith.constant 32 : index
    %get3A_68 = arith.constant 0 : index
    %get3A_69 = vector.load %arg2[%get3A_66, %get3A_67, %get3A_68] : memref<8x232x384xbf16, #tpu.memory_space<vmem>>, vector<8x8x384xbf16>
    %reshape3A_70 = vector.shape_cast %get3A_69 : vector<8x8x384xbf16> to vector<64x384xbf16>
    %swap3A_71 = arith.constant 512 : index
    %swap3A_72 = arith.constant 0 : index
    %swap3A_73 = vector.load %arg13[%swap3A_71, %swap3A_72] : memref<3712x384xbf16, #tpu.memory_space<vmem>>, vector<64x384xbf16>
    tpu.vector_store %arg13[%swap3A_71, %swap3A_72], %reshape3A_65 {strides = array<i32>} : memref<3712x384xbf16, #tpu.memory_space<vmem>>, vector<64x384xbf16>,
    %swap3A_74 = arith.constant 576 : index
    %swap3A_75 = arith.constant 0 : index
    %swap3A_76 = vector.load %arg13[%swap3A_74, %swap3A_75] : memref<3712x384xbf16, #tpu.memory_space<vmem>>, vector<64x384xbf16>
    tpu.vector_store %arg13[%swap3A_74, %swap3A_75], %reshape3A_70 {strides = array<i32>} : memref<3712x384xbf16, #tpu.memory_space<vmem>>, vector<64x384xbf16>,
    %get3A_77 = arith.constant 0 : index
    %get3A_78 = arith.constant 40 : index
    %get3A_79 = arith.constant 0 : index
    %get3A_80 = vector.load %arg1[%get3A_77, %get3A_78, %get3A_79] : memref<8x232x384xbf16, #tpu.memory_space<vmem>>, vector<8x8x384xbf16>
    %reshape3A_81 = vector.shape_cast %get3A_80 : vector<8x8x384xbf16> to vector<64x384xbf16>
    %get3A_82 = arith.constant 0 : index
    %get3A_83 = arith.constant 40 : index
    %get3A_84 = arith.constant 0 : index
    %get3A_85 = vector.load %arg2[%get3A_82, %get3A_83, %get3A_84] : memref<8x232x384xbf16, #tpu.memory_space<vmem>>, vector<8x8x384xbf16>
    %reshape3A_86 = vector.shape_cast %get3A_85 : vector<8x8x384xbf16> to vector<64x384xbf16>
    %swap3A_87 = arith.constant 640 : index
    %swap3A_88 = arith.constant 0 : index
    %swap3A_89 = vector.load %arg13[%swap3A_87, %swap3A_88] : memref<3712x384xbf16, #tpu.memory_space<vmem>>, vector<64x384xbf16>
    tpu.vector_store %arg13[%swap3A_87, %swap3A_88], %reshape3A_81 {strides = array<i32>} : memref<3712x384xbf16, #tpu.memory_space<vmem>>, vector<64x384xbf16>,
    %swap3A_90 = arith.constant 704 : index
    %swap3A_91 = arith.constant 0 : index
    %swap3A_92 = vector.load %arg13[%swap3A_90, %swap3A_91] : memref<3712x384xbf16, #tpu.memory_space<vmem>>, vector<64x384xbf16>
    tpu.vector_store %arg13[%swap3A_90, %swap3A_91], %reshape3A_86 {strides = array<i32>} : memref<3712x384xbf16, #tpu.memory_space<vmem>>, vector<64x384xbf16>,
    %get3A_93 = arith.constant 0 : index
    %get3A_94 = arith.constant 48 : index
    %get3A_95 = arith.constant 0 : index
    %get3A_96 = vector.load %arg1[%get3A_93, %get3A_94, %get3A_95] : memref<8x232x384xbf16, #tpu.memory_space<vmem>>, vector<8x8x384xbf16>
    %reshape3A_97 = vector.shape_cast %get3A_96 : vector<8x8x384xbf16> to vector<64x384xbf16>
    %get3A_98 = arith.constant 0 : index
    %get3A_99 = arith.constant 48 : index
    %get3A_100 = arith.constant 0 : index
    %get3A_101 = vector.load %arg2[%get3A_98, %get3A_99, %get3A_100] : memref<8x232x384xbf16, #tpu.memory_space<vmem>>, vector<8x8x384xbf16>
    %reshape3A_102 = vector.shape_cast %get3A_101 : vector<8x8x384xbf16> to vector<64x384xbf16>
    %swap3A_103 = arith.constant 768 : index
    %swap3A_104 = arith.constant 0 : index
    %swap3A_105 = vector.load %arg13[%swap3A_103, %swap3A_104] : memref<3712x384xbf16, #tpu.memory_space<vmem>>, vector<64x384xbf16>
    tpu.vector_store %arg13[%swap3A_103, %swap3A_104], %reshape3A_97 {strides = array<i32>} : memref<3712x384xbf16, #tpu.memory_space<vmem>>, vector<64x384xbf16>,
    %swap3A_106 = arith.constant 832 : index
    %swap3A_107 = arith.constant 0 : index
    %swap3A_108 = vector.load %arg13[%swap3A_106, %swap3A_107] : memref<3712x384xbf16, #tpu.memory_space<vmem>>, vector<64x384xbf16>
    tpu.vector_store %arg13[%swap3A_106, %swap3A_107], %reshape3A_102 {strides = array<i32>} : memref<3712x384xbf16, #tpu.memory_space<vmem>>, vector<64x384xbf16>,
    %get3A_109 = arith.constant 0 : index
    %get3A_110 = arith.constant 56 : index
    %get3A_111 = arith.constant 0 : index
    %get3A_112 = vector.load %arg1[%get3A_109, %get3A_110, %get3A_111] : memref<8x232x384xbf16, #tpu.memory_space<vmem>>, vector<8x8x384xbf16>
    %reshape3A_113 = vector.shape_cast %get3A_112 : vector<8x8x384xbf16> to vector<64x384xbf16>
    %get3A_114 = arith.constant 0 : index
    %get3A_115 = arith.constant 56 : index
    %get3A_116 = arith.constant 0 : index
    %get3A_117 = vector.load %arg2[%get3A_114, %get3A_115, %get3A_116] : memref<8x232x384xbf16, #tpu.memory_space<vmem>>, vector<8x8x384xbf16>
    %reshape3A_118 = vector.shape_cast %get3A_117 : vector<8x8x384xbf16> to vector<64x384xbf16>
    %swap3A_119 = arith.constant 896 : index
    %swap3A_120 = arith.constant 0 : index
    %swap3A_121 = vector.load %arg13[%swap3A_119, %swap3A_120] : memref<3712x384xbf16, #tpu.memory_space<vmem>>, vector<64x384xbf16>
    tpu.vector_store %arg13[%swap3A_119, %swap3A_120], %reshape3A_113 {strides = array<i32>} : memref<3712x384xbf16, #tpu.memory_space<vmem>>, vector<64x384xbf16>,
    %swap3A_122 = arith.constant 960 : index
    %swap3A_123 = arith.constant 0 : index
    %swap3A_124 = vector.load %arg13[%swap3A_122, %swap3A_123] : memref<3712x384xbf16, #tpu.memory_space<vmem>>, vector<64x384xbf16>
    tpu.vector_store %arg13[%swap3A_122, %swap3A_123], %reshape3A_118 {strides = array<i32>} : memref<3712x384xbf16, #tpu.memory_space<vmem>>, vector<64x384xbf16>,
    %get3A_125 = arith.constant 0 : index
    %get3A_126 = arith.constant 64 : index
    %get3A_127 = arith.constant 0 : index
    %get3A_128 = vector.load %arg1[%get3A_125, %get3A_126, %get3A_127] : memref<8x232x384xbf16, #tpu.memory_space<vmem>>, vector<8x8x384xbf16>
    %reshape3A_129 = vector.shape_cast %get3A_128 : vector<8x8x384xbf16> to vector<64x384xbf16>
    %get3A_130 = arith.constant 0 : index
    %get3A_131 = arith.constant 64 : index
    %get3A_132 = arith.constant 0 : index
    %get3A_133 = vector.load %arg2[%get3A_130, %get3A_131, %get3A_132] : memref<8x232x384xbf16, #tpu.memory_space<vmem>>, vector<8x8x384xbf16>
    %reshape3A_134 = vector.shape_cast %get3A_133 : vector<8x8x384xbf16> to vector<64x384xbf16>
    %swap3A_135 = arith.constant 1024 : index
    %swap3A_136 = arith.constant 0 : index
    %swap3A_137 = vector.load %arg13[%swap3A_135, %swap3A_136] : memref<3712x384xbf16, #tpu.memory_space<vmem>>, vector<64x384xbf16>
    tpu.vector_store %arg13[%swap3A_135, %swap3A_136], %reshape3A_129 {strides = array<i32>} : memref<3712x384xbf16, #tpu.memory_space<vmem>>, vector<64x384xbf16>,
    %swap3A_138 = arith.constant 1088 : index
    %swap3A_139 = arith.constant 0 : index
    %swap3A_140 = vector.load %arg13[%swap3A_138, %swap3A_139] : memref<3712x384xbf16, #tpu.memory_space<vmem>>, vector<64x384xbf16>
    tpu.vector_store %arg13[%swap3A_138, %swap3A_139], %reshape3A_134 {strides = array<i32>} : memref<3712x384xbf16, #tpu.memory_space<vmem>>, vector<64x384xbf16>,
    %get3A_141 = arith.constant 0 : index
    %get3A_142 = arith.constant 72 : index
    %get3A_143 = arith.constant 0 : index
    %get3A_144 = vector.load %arg1[%get3A_141, %get3A_142, %get3A_143] : memref<8x232x384xbf16, #tpu.memory_space<vmem>>, vector<8x8x384xbf16>
    %reshape3A_145 = vector.shape_cast %get3A_144 : vector<8x8x384xbf16> to vector<64x384xbf16>
    %get3A_146 = arith.constant 0 : index
    %get3A_147 = arith.constant 72 : index
    %get3A_148 = arith.constant 0 : index
    %get3A_149 = vector.load %arg2[%get3A_146, %get3A_147, %get3A_148] : memref<8x232x384xbf16, #tpu.memory_space<vmem>>, vector<8x8x384xbf16>
    %reshape3A_150 = vector.shape_cast %get3A_149 : vector<8x8x384xbf16> to vector<64x384xbf16>
    %swap3A_151 = arith.constant 1152 : index
    %swap3A_152 = arith.constant 0 : index
    %swap3A_153 = vector.load %arg13[%swap3A_151, %swap3A_152] : memref<3712x384xbf16, #tpu.memory_space<vmem>>, vector<64x384xbf16>
    tpu.vector_store %arg13[%swap3A_151, %swap3A_152], %reshape3A_145 {strides = array<i32>} : memref<3712x384xbf16, #tpu.memory_space<vmem>>, vector<64x384xbf16>,
    %swap3A_154 = arith.constant 1216 : index
    %swap3A_155 = arith.constant 0 : index
    %swap3A_156 = vector.load %arg13[%swap3A_154, %swap3A_155] : memref<3712x384xbf16, #tpu.memory_space<vmem>>, vector<64x384xbf16>
    tpu.vector_store %arg13[%swap3A_154, %swap3A_155], %reshape3A_150 {strides = array<i32>} : memref<3712x384xbf16, #tpu.memory_space<vmem>>, vector<64x384xbf16>,
    %get3A_157 = arith.constant 0 : index
    %get3A_158 = arith.constant 80 : index
    %get3A_159 = arith.constant 0 : index
    %get3A_160 = vector.load %arg1[%get3A_157, %get3A_158, %get3A_159] : memref<8x232x384xbf16, #tpu.memory_space<vmem>>, vector<8x8x384xbf16>
    %reshape3A_161 = vector.shape_cast %get3A_160 : vector<8x8x384xbf16> to vector<64x384xbf16>
    %get3A_162 = arith.constant 0 : index
    %get3A_163 = arith.constant 80 : index
    %get3A_164 = arith.constant 0 : index
    %get3A_165 = vector.load %arg2[%get3A_162, %get3A_163, %get3A_164] : memref<8x232x384xbf16, #tpu.memory_space<vmem>>, vector<8x8x384xbf16>
    %reshape3A_166 = vector.shape_cast %get3A_165 : vector<8x8x384xbf16> to vector<64x384xbf16>
    %swap3A_167 = arith.constant 1280 : index
    %swap3A_168 = arith.constant 0 : index
    %swap3A_169 = vector.load %arg13[%swap3A_167, %swap3A_168] : memref<3712x384xbf16, #tpu.memory_space<vmem>>, vector<64x384xbf16>
    tpu.vector_store %arg13[%swap3A_167, %swap3A_168], %reshape3A_161 {strides = array<i32>} : memref<3712x384xbf16, #tpu.memory_space<vmem>>, vector<64x384xbf16>,
    %swap3A_170 = arith.constant 1344 : index
    %swap3A_171 = arith.constant 0 : index
    %swap3A_172 = vector.load %arg13[%swap3A_170, %swap3A_171] : memref<3712x384xbf16, #tpu.memory_space<vmem>>, vector<64x384xbf16>
    tpu.vector_store %arg13[%swap3A_170, %swap3A_171], %reshape3A_166 {strides = array<i32>} : memref<3712x384xbf16, #tpu.memory_space<vmem>>, vector<64x384xbf16>,
    %get3A_173 = arith.constant 0 : index
    %get3A_174 = arith.constant 88 : index
    %get3A_175 = arith.constant 0 : index
    %get3A_176 = vector.load %arg1[%get3A_173, %get3A_174, %get3A_175] : memref<8x232x384xbf16, #tpu.memory_space<vmem>>, vector<8x8x384xbf16>
    %reshape3A_177 = vector.shape_cast %get3A_176 : vector<8x8x384xbf16> to vector<64x384xbf16>
    %get3A_178 = arith.constant 0 : index
    %get3A_179 = arith.constant 88 : index
    %get3A_180 = arith.constant 0 : index
    %get3A_181 = vector.load %arg2[%get3A_178, %get3A_179, %get3A_180] : memref<8x232x384xbf16, #tpu.memory_space<vmem>>, vector<8x8x384xbf16>
    %reshape3A_182 = vector.shape_cast %get3A_181 : vector<8x8x384xbf16> to vector<64x384xbf16>
    %swap3A_183 = arith.constant 1408 : index
    %swap3A_184 = arith.constant 0 : index
    %swap3A_185 = vector.load %arg13[%swap3A_183, %swap3A_184] : memref<3712x384xbf16, #tpu.memory_space<vmem>>, vector<64x384xbf16>
    tpu.vector_store %arg13[%swap3A_183, %swap3A_184], %reshape3A_177 {strides = array<i32>} : memref<3712x384xbf16, #tpu.memory_space<vmem>>, vector<64x384xbf16>,
    %swap3A_186 = arith.constant 1472 : index
    %swap3A_187 = arith.constant 0 : index
    %swap3A_188 = vector.load %arg13[%swap3A_186, %swap3A_187] : memref<3712x384xbf16, #tpu.memory_space<vmem>>, vector<64x384xbf16>
    tpu.vector_store %arg13[%swap3A_186, %swap3A_187], %reshape3A_182 {strides = array<i32>} : memref<3712x384xbf16, #tpu.memory_space<vmem>>, vector<64x384xbf16>,
    %get3A_189 = arith.constant 0 : index
    %get3A_190 = arith.constant 96 : index
    %get3A_191 = arith.constant 0 : index
    %get3A_192 = vector.load %arg1[%get3A_189, %get3A_190, %get3A_191] : memref<8x232x384xbf16, #tpu.memory_space<vmem>>, vector<8x8x384xbf16>
    %reshape3A_193 = vector.shape_cast %get3A_192 : vector<8x8x384xbf16> to vector<64x384xbf16>
    %get3A_194 = arith.constant 0 : index
    %get3A_195 = arith.constant 96 : index
    %get3A_196 = arith.constant 0 : index
    %get3A_197 = vector.load %arg2[%get3A_194, %get3A_195, %get3A_196] : memref<8x232x384xbf16, #tpu.memory_space<vmem>>, vector<8x8x384xbf16>
    %reshape3A_198 = vector.shape_cast %get3A_197 : vector<8x8x384xbf16> to vector<64x384xbf16>
    %swap3A_199 = arith.constant 1536 : index
    %swap3A_200 = arith.constant 0 : index
    %swap3A_201 = vector.load %arg13[%swap3A_199, %swap3A_200] : memref<3712x384xbf16, #tpu.memory_space<vmem>>, vector<64x384xbf16>
    tpu.vector_store %arg13[%swap3A_199, %swap3A_200], %reshape3A_193 {strides = array<i32>} : memref<3712x384xbf16, #tpu.memory_space<vmem>>, vector<64x384xbf16>,
    %swap3A_202 = arith.constant 1600 : index
    %swap3A_203 = arith.constant 0 : index
    %swap3A_204 = vector.load %arg13[%swap3A_202, %swap3A_203] : memref<3712x384xbf16, #tpu.memory_space<vmem>>, vector<64x384xbf16>
    tpu.vector_store %arg13[%swap3A_202, %swap3A_203], %reshape3A_198 {strides = array<i32>} : memref<3712x384xbf16, #tpu.memory_space<vmem>>, vector<64x384xbf16>,
    %get3A_205 = arith.constant 0 : index
    %get3A_206 = arith.constant 104 : index
    %get3A_207 = arith.constant 0 : index
    %get3A_208 = vector.load %arg1[%get3A_205, %get3A_206, %get3A_207] : memref<8x232x384xbf16, #tpu.memory_space<vmem>>, vector<8x8x384xbf16>
    %reshape3A_209 = vector.shape_cast %get3A_208 : vector<8x8x384xbf16> to vector<64x384xbf16>
    %get3A_210 = arith.constant 0 : index
    %get3A_211 = arith.constant 104 : index
    %get3A_212 = arith.constant 0 : index
    %get3A_213 = vector.load %arg2[%get3A_210, %get3A_211, %get3A_212] : memref<8x232x384xbf16, #tpu.memory_space<vmem>>, vector<8x8x384xbf16>
    %reshape3A_214 = vector.shape_cast %get3A_213 : vector<8x8x384xbf16> to vector<64x384xbf16>
    %swap3A_215 = arith.constant 1664 : index
    %swap3A_216 = arith.constant 0 : index
    %swap3A_217 = vector.load %arg13[%swap3A_215, %swap3A_216] : memref<3712x384xbf16, #tpu.memory_space<vmem>>, vector<64x384xbf16>
    tpu.vector_store %arg13[%swap3A_215, %swap3A_216], %reshape3A_209 {strides = array<i32>} : memref<3712x384xbf16, #tpu.memory_space<vmem>>, vector<64x384xbf16>,
    %swap3A_218 = arith.constant 1728 : index
    %swap3A_219 = arith.constant 0 : index
    %swap3A_220 = vector.load %arg13[%swap3A_218, %swap3A_219] : memref<3712x384xbf16, #tpu.memory_space<vmem>>, vector<64x384xbf16>
    tpu.vector_store %arg13[%swap3A_218, %swap3A_219], %reshape3A_214 {strides = array<i32>} : memref<3712x384xbf16, #tpu.memory_space<vmem>>, vector<64x384xbf16>,
    %get3A_221 = arith.constant 0 : index
    %get3A_222 = arith.constant 112 : index
    %get3A_223 = arith.constant 0 : index
    %get3A_224 = vector.load %arg1[%get3A_221, %get3A_222, %get3A_223] : memref<8x232x384xbf16, #tpu.memory_space<vmem>>, vector<8x8x384xbf16>
    %reshape3A_225 = vector.shape_cast %get3A_224 : vector<8x8x384xbf16> to vector<64x384xbf16>
    %get3A_226 = arith.constant 0 : index
    %get3A_227 = arith.constant 112 : index
    %get3A_228 = arith.constant 0 : index
    %get3A_229 = vector.load %arg2[%get3A_226, %get3A_227, %get3A_228] : memref<8x232x384xbf16, #tpu.memory_space<vmem>>, vector<8x8x384xbf16>
    %reshape3A_230 = vector.shape_cast %get3A_229 : vector<8x8x384xbf16> to vector<64x384xbf16>
    %swap3A_231 = arith.constant 1792 : index
    %swap3A_232 = arith.constant 0 : index
    %swap3A_233 = vector.load %arg13[%swap3A_231, %swap3A_232] : memref<3712x384xbf16, #tpu.memory_space<vmem>>, vector<64x384xbf16>
    tpu.vector_store %arg13[%swap3A_231, %swap3A_232], %reshape3A_225 {strides = array<i32>} : memref<3712x384xbf16, #tpu.memory_space<vmem>>, vector<64x384xbf16>,
    %swap3A_234 = arith.constant 1856 : index
    %swap3A_235 = arith.constant 0 : index
    %swap3A_236 = vector.load %arg13[%swap3A_234, %swap3A_235] : memref<3712x384xbf16, #tpu.memory_space<vmem>>, vector<64x384xbf16>
    tpu.vector_store %arg13[%swap3A_234, %swap3A_235], %reshape3A_230 {strides = array<i32>} : memref<3712x384xbf16, #tpu.memory_space<vmem>>, vector<64x384xbf16>,
    %get3A_237 = arith.constant 0 : index
    %get3A_238 = arith.constant 120 : index
    %get3A_239 = arith.constant 0 : index
    %get3A_240 = vector.load %arg1[%get3A_237, %get3A_238, %get3A_239] : memref<8x232x384xbf16, #tpu.memory_space<vmem>>, vector<8x8x384xbf16>
    %reshape3A_241 = vector.shape_cast %get3A_240 : vector<8x8x384xbf16> to vector<64x384xbf16>
    %get3A_242 = arith.constant 0 : index
    %get3A_243 = arith.constant 120 : index
    %get3A_244 = arith.constant 0 : index
    %get3A_245 = vector.load %arg2[%get3A_242, %get3A_243, %get3A_244] : memref<8x232x384xbf16, #tpu.memory_space<vmem>>, vector<8x8x384xbf16>
    %reshape3A_246 = vector.shape_cast %get3A_245 : vector<8x8x384xbf16> to vector<64x384xbf16>
    %swap3A_247 = arith.constant 1920 : index
    %swap3A_248 = arith.constant 0 : index
    %swap3A_249 = vector.load %arg13[%swap3A_247, %swap3A_248] : memref<3712x384xbf16, #tpu.memory_space<vmem>>, vector<64x384xbf16>
    tpu.vector_store %arg13[%swap3A_247, %swap3A_248], %reshape3A_241 {strides = array<i32>} : memref<3712x384xbf16, #tpu.memory_space<vmem>>, vector<64x384xbf16>,
    %swap3A_250 = arith.constant 1984 : index
    %swap3A_251 = arith.constant 0 : index
    %swap3A_252 = vector.load %arg13[%swap3A_250, %swap3A_251] : memref<3712x384xbf16, #tpu.memory_space<vmem>>, vector<64x384xbf16>
    tpu.vector_store %arg13[%swap3A_250, %swap3A_251], %reshape3A_246 {strides = array<i32>} : memref<3712x384xbf16, #tpu.memory_space<vmem>>, vector<64x384xbf16>,
    %get3A_253 = arith.constant 0 : index
    %get3A_254 = arith.constant 128 : index
    %get3A_255 = arith.constant 0 : index
    %get3A_256 = vector.load %arg1[%get3A_253, %get3A_254, %get3A_255] : memref<8x232x384xbf16, #tpu.memory_space<vmem>>, vector<8x8x384xbf16>
    %reshape3A_257 = vector.shape_cast %get3A_256 : vector<8x8x384xbf16> to vector<64x384xbf16>
    %get3A_258 = arith.constant 0 : index
    %get3A_259 = arith.constant 128 : index
    %get3A_260 = arith.constant 0 : index
    %get3A_261 = vector.load %arg2[%get3A_258, %get3A_259, %get3A_260] : memref<8x232x384xbf16, #tpu.memory_space<vmem>>, vector<8x8x384xbf16>
    %reshape3A_262 = vector.shape_cast %get3A_261 : vector<8x8x384xbf16> to vector<64x384xbf16>
    %swap3A_263 = arith.constant 2048 : index
    %swap3A_264 = arith.constant 0 : index
    %swap3A_265 = vector.load %arg13[%swap3A_263, %swap3A_264] : memref<3712x384xbf16, #tpu.memory_space<vmem>>, vector<64x384xbf16>
    tpu.vector_store %arg13[%swap3A_263, %swap3A_264], %reshape3A_257 {strides = array<i32>} : memref<3712x384xbf16, #tpu.memory_space<vmem>>, vector<64x384xbf16>,
    %swap3A_266 = arith.constant 2112 : index
    %swap3A_267 = arith.constant 0 : index
    %swap3A_268 = vector.load %arg13[%swap3A_266, %swap3A_267] : memref<3712x384xbf16, #tpu.memory_space<vmem>>, vector<64x384xbf16>
    tpu.vector_store %arg13[%swap3A_266, %swap3A_267], %reshape3A_262 {strides = array<i32>} : memref<3712x384xbf16, #tpu.memory_space<vmem>>, vector<64x384xbf16>,
    %get3A_269 = arith.constant 0 : index
    %get3A_270 = arith.constant 136 : index
    %get3A_271 = arith.constant 0 : index
    %get3A_272 = vector.load %arg1[%get3A_269, %get3A_270, %get3A_271] : memref<8x232x384xbf16, #tpu.memory_space<vmem>>, vector<8x8x384xbf16>
    %reshape3A_273 = vector.shape_cast %get3A_272 : vector<8x8x384xbf16> to vector<64x384xbf16>
    %get3A_274 = arith.constant 0 : index
    %get3A_275 = arith.constant 136 : index
    %get3A_276 = arith.constant 0 : index
    %get3A_277 = vector.load %arg2[%get3A_274, %get3A_275, %get3A_276] : memref<8x232x384xbf16, #tpu.memory_space<vmem>>, vector<8x8x384xbf16>
    %reshape3A_278 = vector.shape_cast %get3A_277 : vector<8x8x384xbf16> to vector<64x384xbf16>
    %swap3A_279 = arith.constant 2176 : index
    %swap3A_280 = arith.constant 0 : index
    %swap3A_281 = vector.load %arg13[%swap3A_279, %swap3A_280] : memref<3712x384xbf16, #tpu.memory_space<vmem>>, vector<64x384xbf16>
    tpu.vector_store %arg13[%swap3A_279, %swap3A_280], %reshape3A_273 {strides = array<i32>} : memref<3712x384xbf16, #tpu.memory_space<vmem>>, vector<64x384xbf16>,
    %swap3A_282 = arith.constant 2240 : index
    %swap3A_283 = arith.constant 0 : index
    %swap3A_284 = vector.load %arg13[%swap3A_282, %swap3A_283] : memref<3712x384xbf16, #tpu.memory_space<vmem>>, vector<64x384xbf16>
    tpu.vector_store %arg13[%swap3A_282, %swap3A_283], %reshape3A_278 {strides = array<i32>} : memref<3712x384xbf16, #tpu.memory_space<vmem>>, vector<64x384xbf16>,
    %get3A_285 = arith.constant 0 : index
    %get3A_286 = arith.constant 144 : index
    %get3A_287 = arith.constant 0 : index
    %get3A_288 = vector.load %arg1[%get3A_285, %get3A_286, %get3A_287] : memref<8x232x384xbf16, #tpu.memory_space<vmem>>, vector<8x8x384xbf16>
    %reshape3A_289 = vector.shape_cast %get3A_288 : vector<8x8x384xbf16> to vector<64x384xbf16>
    %get3A_290 = arith.constant 0 : index
    %get3A_291 = arith.constant 144 : index
    %get3A_292 = arith.constant 0 : index
    %get3A_293 = vector.load %arg2[%get3A_290, %get3A_291, %get3A_292] : memref<8x232x384xbf16, #tpu.memory_space<vmem>>, vector<8x8x384xbf16>
    %reshape3A_294 = vector.shape_cast %get3A_293 : vector<8x8x384xbf16> to vector<64x384xbf16>
    %swap3A_295 = arith.constant 2304 : index
    %swap3A_296 = arith.constant 0 : index
    %swap3A_297 = vector.load %arg13[%swap3A_295, %swap3A_296] : memref<3712x384xbf16, #tpu.memory_space<vmem>>, vector<64x384xbf16>
    tpu.vector_store %arg13[%swap3A_295, %swap3A_296], %reshape3A_289 {strides = array<i32>} : memref<3712x384xbf16, #tpu.memory_space<vmem>>, vector<64x384xbf16>,
    %swap3A_298 = arith.constant 2368 : index
    %swap3A_299 = arith.constant 0 : index
    %swap3A_300 = vector.load %arg13[%swap3A_298, %swap3A_299] : memref<3712x384xbf16, #tpu.memory_space<vmem>>, vector<64x384xbf16>
    tpu.vector_store %arg13[%swap3A_298, %swap3A_299], %reshape3A_294 {strides = array<i32>} : memref<3712x384xbf16, #tpu.memory_space<vmem>>, vector<64x384xbf16>,
    %get3A_301 = arith.constant 0 : index
    %get3A_302 = arith.constant 152 : index
    %get3A_303 = arith.constant 0 : index
    %get3A_304 = vector.load %arg1[%get3A_301, %get3A_302, %get3A_303] : memref<8x232x384xbf16, #tpu.memory_space<vmem>>, vector<8x8x384xbf16>
    %reshape3A_305 = vector.shape_cast %get3A_304 : vector<8x8x384xbf16> to vector<64x384xbf16>
    %get3A_306 = arith.constant 0 : index
    %get3A_307 = arith.constant 152 : index
    %get3A_308 = arith.constant 0 : index
    %get3A_309 = vector.load %arg2[%get3A_306, %get3A_307, %get3A_308] : memref<8x232x384xbf16, #tpu.memory_space<vmem>>, vector<8x8x384xbf16>
    %reshape3A_310 = vector.shape_cast %get3A_309 : vector<8x8x384xbf16> to vector<64x384xbf16>
    %swap3A_311 = arith.constant 2432 : index
    %swap3A_312 = arith.constant 0 : index
    %swap3A_313 = vector.load %arg13[%swap3A_311, %swap3A_312] : memref<3712x384xbf16, #tpu.memory_space<vmem>>, vector<64x384xbf16>
    tpu.vector_store %arg13[%swap3A_311, %swap3A_312], %reshape3A_305 {strides = array<i32>} : memref<3712x384xbf16, #tpu.memory_space<vmem>>, vector<64x384xbf16>,
    %swap3A_314 = arith.constant 2496 : index
    %swap3A_315 = arith.constant 0 : index
    %swap3A_316 = vector.load %arg13[%swap3A_314, %swap3A_315] : memref<3712x384xbf16, #tpu.memory_space<vmem>>, vector<64x384xbf16>
    tpu.vector_store %arg13[%swap3A_314, %swap3A_315], %reshape3A_310 {strides = array<i32>} : memref<3712x384xbf16, #tpu.memory_space<vmem>>, vector<64x384xbf16>,
    %get3A_317 = arith.constant 0 : index
    %get3A_318 = arith.constant 160 : index
    %get3A_319 = arith.constant 0 : index
    %get3A_320 = vector.load %arg1[%get3A_317, %get3A_318, %get3A_319] : memref<8x232x384xbf16, #tpu.memory_space<vmem>>, vector<8x8x384xbf16>
    %reshape3A_321 = vector.shape_cast %get3A_320 : vector<8x8x384xbf16> to vector<64x384xbf16>
    %get3A_322 = arith.constant 0 : index
    %get3A_323 = arith.constant 160 : index
    %get3A_324 = arith.constant 0 : index
    %get3A_325 = vector.load %arg2[%get3A_322, %get3A_323, %get3A_324] : memref<8x232x384xbf16, #tpu.memory_space<vmem>>, vector<8x8x384xbf16>
    %reshape3A_326 = vector.shape_cast %get3A_325 : vector<8x8x384xbf16> to vector<64x384xbf16>
    %swap3A_327 = arith.constant 2560 : index
    %swap3A_328 = arith.constant 0 : index
    %swap3A_329 = vector.load %arg13[%swap3A_327, %swap3A_328] : memref<3712x384xbf16, #tpu.memory_space<vmem>>, vector<64x384xbf16>
    tpu.vector_store %arg13[%swap3A_327, %swap3A_328], %reshape3A_321 {strides = array<i32>} : memref<3712x384xbf16, #tpu.memory_space<vmem>>, vector<64x384xbf16>,
    %swap3A_330 = arith.constant 2624 : index
    %swap3A_331 = arith.constant 0 : index
    %swap3A_332 = vector.load %arg13[%swap3A_330, %swap3A_331] : memref<3712x384xbf16, #tpu.memory_space<vmem>>, vector<64x384xbf16>
    tpu.vector_store %arg13[%swap3A_330, %swap3A_331], %reshape3A_326 {strides = array<i32>} : memref<3712x384xbf16, #tpu.memory_space<vmem>>, vector<64x384xbf16>,
    %get3A_333 = arith.constant 0 : index
    %get3A_334 = arith.constant 168 : index
    %get3A_335 = arith.constant 0 : index
    %get3A_336 = vector.load %arg1[%get3A_333, %get3A_334, %get3A_335] : memref<8x232x384xbf16, #tpu.memory_space<vmem>>, vector<8x8x384xbf16>
    %reshape3A_337 = vector.shape_cast %get3A_336 : vector<8x8x384xbf16> to vector<64x384xbf16>
    %get3A_338 = arith.constant 0 : index
    %get3A_339 = arith.constant 168 : index
    %get3A_340 = arith.constant 0 : index
    %get3A_341 = vector.load %arg2[%get3A_338, %get3A_339, %get3A_340] : memref<8x232x384xbf16, #tpu.memory_space<vmem>>, vector<8x8x384xbf16>
    %reshape3A_342 = vector.shape_cast %get3A_341 : vector<8x8x384xbf16> to vector<64x384xbf16>
    %swap3A_343 = arith.constant 2688 : index
    %swap3A_344 = arith.constant 0 : index
    %swap3A_345 = vector.load %arg13[%swap3A_343, %swap3A_344] : memref<3712x384xbf16, #tpu.memory_space<vmem>>, vector<64x384xbf16>
    tpu.vector_store %arg13[%swap3A_343, %swap3A_344], %reshape3A_337 {strides = array<i32>} : memref<3712x384xbf16, #tpu.memory_space<vmem>>, vector<64x384xbf16>,
    %swap3A_346 = arith.constant 2752 : index
    %swap3A_347 = arith.constant 0 : index
    %swap3A_348 = vector.load %arg13[%swap3A_346, %swap3A_347] : memref<3712x384xbf16, #tpu.memory_space<vmem>>, vector<64x384xbf16>
    tpu.vector_store %arg13[%swap3A_346, %swap3A_347], %reshape3A_342 {strides = array<i32>} : memref<3712x384xbf16, #tpu.memory_space<vmem>>, vector<64x384xbf16>,
    %get3A_349 = arith.constant 0 : index
    %get3A_350 = arith.constant 176 : index
    %get3A_351 = arith.constant 0 : index
    %get3A_352 = vector.load %arg1[%get3A_349, %get3A_350, %get3A_351] : memref<8x232x384xbf16, #tpu.memory_space<vmem>>, vector<8x8x384xbf16>
    %reshape3A_353 = vector.shape_cast %get3A_352 : vector<8x8x384xbf16> to vector<64x384xbf16>
    %get3A_354 = arith.constant 0 : index
    %get3A_355 = arith.constant 176 : index
    %get3A_356 = arith.constant 0 : index
    %get3A_357 = vector.load %arg2[%get3A_354, %get3A_355, %get3A_356] : memref<8x232x384xbf16, #tpu.memory_space<vmem>>, vector<8x8x384xbf16>
    %reshape3A_358 = vector.shape_cast %get3A_357 : vector<8x8x384xbf16> to vector<64x384xbf16>
    %swap3A_359 = arith.constant 2816 : index
    %swap3A_360 = arith.constant 0 : index
    %swap3A_361 = vector.load %arg13[%swap3A_359, %swap3A_360] : memref<3712x384xbf16, #tpu.memory_space<vmem>>, vector<64x384xbf16>
    tpu.vector_store %arg13[%swap3A_359, %swap3A_360], %reshape3A_353 {strides = array<i32>} : memref<3712x384xbf16, #tpu.memory_space<vmem>>, vector<64x384xbf16>,
    %swap3A_362 = arith.constant 2880 : index
    %swap3A_363 = arith.constant 0 : index
    %swap3A_364 = vector.load %arg13[%swap3A_362, %swap3A_363] : memref<3712x384xbf16, #tpu.memory_space<vmem>>, vector<64x384xbf16>
    tpu.vector_store %arg13[%swap3A_362, %swap3A_363], %reshape3A_358 {strides = array<i32>} : memref<3712x384xbf16, #tpu.memory_space<vmem>>, vector<64x384xbf16>,
    %get3A_365 = arith.constant 0 : index
    %get3A_366 = arith.constant 184 : index
    %get3A_367 = arith.constant 0 : index
    %get3A_368 = vector.load %arg1[%get3A_365, %get3A_366, %get3A_367] : memref<8x232x384xbf16, #tpu.memory_space<vmem>>, vector<8x8x384xbf16>
    %reshape3A_369 = vector.shape_cast %get3A_368 : vector<8x8x384xbf16> to vector<64x384xbf16>
    %get3A_370 = arith.constant 0 : index
    %get3A_371 = arith.constant 184 : index
    %get3A_372 = arith.constant 0 : index
    %get3A_373 = vector.load %arg2[%get3A_370, %get3A_371, %get3A_372] : memref<8x232x384xbf16, #tpu.memory_space<vmem>>, vector<8x8x384xbf16>
    %reshape3A_374 = vector.shape_cast %get3A_373 : vector<8x8x384xbf16> to vector<64x384xbf16>
    %swap3A_375 = arith.constant 2944 : index
    %swap3A_376 = arith.constant 0 : index
    %swap3A_377 = vector.load %arg13[%swap3A_375, %swap3A_376] : memref<3712x384xbf16, #tpu.memory_space<vmem>>, vector<64x384xbf16>
    tpu.vector_store %arg13[%swap3A_375, %swap3A_376], %reshape3A_369 {strides = array<i32>} : memref<3712x384xbf16, #tpu.memory_space<vmem>>, vector<64x384xbf16>,
    %swap3A_378 = arith.constant 3008 : index
    %swap3A_379 = arith.constant 0 : index
    %swap3A_380 = vector.load %arg13[%swap3A_378, %swap3A_379] : memref<3712x384xbf16, #tpu.memory_space<vmem>>, vector<64x384xbf16>
    tpu.vector_store %arg13[%swap3A_378, %swap3A_379], %reshape3A_374 {strides = array<i32>} : memref<3712x384xbf16, #tpu.memory_space<vmem>>, vector<64x384xbf16>,
    %get3A_381 = arith.constant 0 : index
    %get3A_382 = arith.constant 192 : index
    %get3A_383 = arith.constant 0 : index
    %get3A_384 = vector.load %arg1[%get3A_381, %get3A_382, %get3A_383] : memref<8x232x384xbf16, #tpu.memory_space<vmem>>, vector<8x8x384xbf16>
    %reshape3A_385 = vector.shape_cast %get3A_384 : vector<8x8x384xbf16> to vector<64x384xbf16>
    %get3A_386 = arith.constant 0 : index
    %get3A_387 = arith.constant 192 : index
    %get3A_388 = arith.constant 0 : index
    %get3A_389 = vector.load %arg2[%get3A_386, %get3A_387, %get3A_388] : memref<8x232x384xbf16, #tpu.memory_space<vmem>>, vector<8x8x384xbf16>
    %reshape3A_390 = vector.shape_cast %get3A_389 : vector<8x8x384xbf16> to vector<64x384xbf16>
    %swap3A_391 = arith.constant 3072 : index
    %swap3A_392 = arith.constant 0 : index
    %swap3A_393 = vector.load %arg13[%swap3A_391, %swap3A_392] : memref<3712x384xbf16, #tpu.memory_space<vmem>>, vector<64x384xbf16>
    tpu.vector_store %arg13[%swap3A_391, %swap3A_392], %reshape3A_385 {strides = array<i32>} : memref<3712x384xbf16, #tpu.memory_space<vmem>>, vector<64x384xbf16>,
    %swap3A_394 = arith.constant 3136 : index
    %swap3A_395 = arith.constant 0 : index
    %swap3A_396 = vector.load %arg13[%swap3A_394, %swap3A_395] : memref<3712x384xbf16, #tpu.memory_space<vmem>>, vector<64x384xbf16>
    tpu.vector_store %arg13[%swap3A_394, %swap3A_395], %reshape3A_390 {strides = array<i32>} : memref<3712x384xbf16, #tpu.memory_space<vmem>>, vector<64x384xbf16>,
    %get3A_397 = arith.constant 0 : index
    %get3A_398 = arith.constant 200 : index
    %get3A_399 = arith.constant 0 : index
    %get3A_400 = vector.load %arg1[%get3A_397, %get3A_398, %get3A_399] : memref<8x232x384xbf16, #tpu.memory_space<vmem>>, vector<8x8x384xbf16>
    %reshape3A_401 = vector.shape_cast %get3A_400 : vector<8x8x384xbf16> to vector<64x384xbf16>
    %get3A_402 = arith.constant 0 : index
    %get3A_403 = arith.constant 200 : index
    %get3A_404 = arith.constant 0 : index
    %get3A_405 = vector.load %arg2[%get3A_402, %get3A_403, %get3A_404] : memref<8x232x384xbf16, #tpu.memory_space<vmem>>, vector<8x8x384xbf16>
    %reshape3A_406 = vector.shape_cast %get3A_405 : vector<8x8x384xbf16> to vector<64x384xbf16>
    %swap3A_407 = arith.constant 3200 : index
    %swap3A_408 = arith.constant 0 : index
    %swap3A_409 = vector.load %arg13[%swap3A_407, %swap3A_408] : memref<3712x384xbf16, #tpu.memory_space<vmem>>, vector<64x384xbf16>
    tpu.vector_store %arg13[%swap3A_407, %swap3A_408], %reshape3A_401 {strides = array<i32>} : memref<3712x384xbf16, #tpu.memory_space<vmem>>, vector<64x384xbf16>,
    %swap3A_410 = arith.constant 3264 : index
    %swap3A_411 = arith.constant 0 : index
    %swap3A_412 = vector.load %arg13[%swap3A_410, %swap3A_411] : memref<3712x384xbf16, #tpu.memory_space<vmem>>, vector<64x384xbf16>
    tpu.vector_store %arg13[%swap3A_410, %swap3A_411], %reshape3A_406 {strides = array<i32>} : memref<3712x384xbf16, #tpu.memory_space<vmem>>, vector<64x384xbf16>,
    %get3A_413 = arith.constant 0 : index
    %get3A_414 = arith.constant 208 : index
    %get3A_415 = arith.constant 0 : index
    %get3A_416 = vector.load %arg1[%get3A_413, %get3A_414, %get3A_415] : memref<8x232x384xbf16, #tpu.memory_space<vmem>>, vector<8x8x384xbf16>
    %reshape3A_417 = vector.shape_cast %get3A_416 : vector<8x8x384xbf16> to vector<64x384xbf16>
    %get3A_418 = arith.constant 0 : index
    %get3A_419 = arith.constant 208 : index
    %get3A_420 = arith.constant 0 : index
    %get3A_421 = vector.load %arg2[%get3A_418, %get3A_419, %get3A_420] : memref<8x232x384xbf16, #tpu.memory_space<vmem>>, vector<8x8x384xbf16>
    %reshape3A_422 = vector.shape_cast %get3A_421 : vector<8x8x384xbf16> to vector<64x384xbf16>
    %swap3A_423 = arith.constant 3328 : index
    %swap3A_424 = arith.constant 0 : index
    %swap3A_425 = vector.load %arg13[%swap3A_423, %swap3A_424] : memref<3712x384xbf16, #tpu.memory_space<vmem>>, vector<64x384xbf16>
    tpu.vector_store %arg13[%swap3A_423, %swap3A_424], %reshape3A_417 {strides = array<i32>} : memref<3712x384xbf16, #tpu.memory_space<vmem>>, vector<64x384xbf16>,
    %swap3A_426 = arith.constant 3392 : index
    %swap3A_427 = arith.constant 0 : index
    %swap3A_428 = vector.load %arg13[%swap3A_426, %swap3A_427] : memref<3712x384xbf16, #tpu.memory_space<vmem>>, vector<64x384xbf16>
    tpu.vector_store %arg13[%swap3A_426, %swap3A_427], %reshape3A_422 {strides = array<i32>} : memref<3712x384xbf16, #tpu.memory_space<vmem>>, vector<64x384xbf16>,
    %get3A_429 = arith.constant 0 : index
    %get3A_430 = arith.constant 216 : index
    %get3A_431 = arith.constant 0 : index
    %get3A_432 = vector.load %arg1[%get3A_429, %get3A_430, %get3A_431] : memref<8x232x384xbf16, #tpu.memory_space<vmem>>, vector<8x8x384xbf16>
    %reshape3A_433 = vector.shape_cast %get3A_432 : vector<8x8x384xbf16> to vector<64x384xbf16>
    %get3A_434 = arith.constant 0 : index
    %get3A_435 = arith.constant 216 : index
    %get3A_436 = arith.constant 0 : index
    %get3A_437 = vector.load %arg2[%get3A_434, %get3A_435, %get3A_436] : memref<8x232x384xbf16, #tpu.memory_space<vmem>>, vector<8x8x384xbf16>
    %reshape3A_438 = vector.shape_cast %get3A_437 : vector<8x8x384xbf16> to vector<64x384xbf16>
    %swap3A_439 = arith.constant 3456 : index
    %swap3A_440 = arith.constant 0 : index
    %swap3A_441 = vector.load %arg13[%swap3A_439, %swap3A_440] : memref<3712x384xbf16, #tpu.memory_space<vmem>>, vector<64x384xbf16>
    tpu.vector_store %arg13[%swap3A_439, %swap3A_440], %reshape3A_433 {strides = array<i32>} : memref<3712x384xbf16, #tpu.memory_space<vmem>>, vector<64x384xbf16>,
    %swap3A_442 = arith.constant 3520 : index
    %swap3A_443 = arith.constant 0 : index
    %swap3A_444 = vector.load %arg13[%swap3A_442, %swap3A_443] : memref<3712x384xbf16, #tpu.memory_space<vmem>>, vector<64x384xbf16>
    tpu.vector_store %arg13[%swap3A_442, %swap3A_443], %reshape3A_438 {strides = array<i32>} : memref<3712x384xbf16, #tpu.memory_space<vmem>>, vector<64x384xbf16>,
    %get3A_445 = arith.constant 0 : index
    %get3A_446 = arith.constant 224 : index
    %get3A_447 = arith.constant 0 : index
    %get3A_448 = vector.load %arg1[%get3A_445, %get3A_446, %get3A_447] : memref<8x232x384xbf16, #tpu.memory_space<vmem>>, vector<8x8x384xbf16>
    %reshape3A_449 = vector.shape_cast %get3A_448 : vector<8x8x384xbf16> to vector<64x384xbf16>
    %get3A_450 = arith.constant 0 : index
    %get3A_451 = arith.constant 224 : index
    %get3A_452 = arith.constant 0 : index
    %get3A_453 = vector.load %arg2[%get3A_450, %get3A_451, %get3A_452] : memref<8x232x384xbf16, #tpu.memory_space<vmem>>, vector<8x8x384xbf16>
    %reshape3A_454 = vector.shape_cast %get3A_453 : vector<8x8x384xbf16> to vector<64x384xbf16>
    %swap3A_455 = arith.constant 3584 : index
    %swap3A_456 = arith.constant 0 : index
    %swap3A_457 = vector.load %arg13[%swap3A_455, %swap3A_456] : memref<3712x384xbf16, #tpu.memory_space<vmem>>, vector<64x384xbf16>
    tpu.vector_store %arg13[%swap3A_455, %swap3A_456], %reshape3A_449 {strides = array<i32>} : memref<3712x384xbf16, #tpu.memory_space<vmem>>, vector<64x384xbf16>,
    %swap3A_458 = arith.constant 3648 : index
    %swap3A_459 = arith.constant 0 : index
    %swap3A_460 = vector.load %arg13[%swap3A_458, %swap3A_459] : memref<3712x384xbf16, #tpu.memory_space<vmem>>, vector<64x384xbf16>
    tpu.vector_store %arg13[%swap3A_458, %swap3A_459], %reshape3A_454 {strides = array<i32>} : memref<3712x384xbf16, #tpu.memory_space<vmem>>, vector<64x384xbf16>,
    %get3A_461 = arith.constant 4 : index
    %get3A_462 = arith.constant 4 : index
    %get3A_463 = arith.constant 0 : index
    %get3A_464 = vector.load %arg1[%get3A_461, %get3A_462, %get3A_463] : memref<8x232x384xbf16, #tpu.memory_space<vmem>>, vector<4x8x384xbf16>
    %reshape3A_465 = vector.shape_cast %get3A_464 : vector<4x8x384xbf16> to vector<32x384xbf16>
    %get3A_466 = arith.constant 0 : index
    %get3A_467 = arith.constant 4 : index
    %get3A_468 = arith.constant 0 : index
    %get3A_469 = vector.load %arg2[%get3A_466, %get3A_467, %get3A_468] : memref<8x232x384xbf16, #tpu.memory_space<vmem>>, vector<4x8x384xbf16>
    %reshape3A_470 = vector.shape_cast %get3A_469 : vector<4x8x384xbf16> to vector<32x384xbf16>
    %swap3A_471 = arith.constant 0 : index
    %swap3A_472 = arith.constant 0 : index
    %swap3A_473 = vector.load %arg14[%swap3A_471, %swap3A_472] : memref<1792x384xbf16, #tpu.memory_space<vmem>>, vector<32x384xbf16>
    tpu.vector_store %arg14[%swap3A_471, %swap3A_472], %reshape3A_465 {strides = array<i32>} : memref<1792x384xbf16, #tpu.memory_space<vmem>>, vector<32x384xbf16>,
    %swap3A_474 = arith.constant 32 : index
    %swap3A_475 = arith.constant 0 : index
    %swap3A_476 = vector.load %arg14[%swap3A_474, %swap3A_475] : memref<1792x384xbf16, #tpu.memory_space<vmem>>, vector<32x384xbf16>
    tpu.vector_store %arg14[%swap3A_474, %swap3A_475], %reshape3A_470 {strides = array<i32>} : memref<1792x384xbf16, #tpu.memory_space<vmem>>, vector<32x384xbf16>,
    %get3A_477 = arith.constant 4 : index
    %get3A_478 = arith.constant 12 : index
    %get3A_479 = arith.constant 0 : index
    %get3A_480 = vector.load %arg1[%get3A_477, %get3A_478, %get3A_479] : memref<8x232x384xbf16, #tpu.memory_space<vmem>>, vector<4x8x384xbf16>
    %reshape3A_481 = vector.shape_cast %get3A_480 : vector<4x8x384xbf16> to vector<32x384xbf16>
    %get3A_482 = arith.constant 0 : index
    %get3A_483 = arith.constant 12 : index
    %get3A_484 = arith.constant 0 : index
    %get3A_485 = vector.load %arg2[%get3A_482, %get3A_483, %get3A_484] : memref<8x232x384xbf16, #tpu.memory_space<vmem>>, vector<4x8x384xbf16>
    %reshape3A_486 = vector.shape_cast %get3A_485 : vector<4x8x384xbf16> to vector<32x384xbf16>
    %swap3A_487 = arith.constant 64 : index
    %swap3A_488 = arith.constant 0 : index
    %swap3A_489 = vector.load %arg14[%swap3A_487, %swap3A_488] : memref<1792x384xbf16, #tpu.memory_space<vmem>>, vector<32x384xbf16>
    tpu.vector_store %arg14[%swap3A_487, %swap3A_488], %reshape3A_481 {strides = array<i32>} : memref<1792x384xbf16, #tpu.memory_space<vmem>>, vector<32x384xbf16>,
    %swap3A_490 = arith.constant 96 : index
    %swap3A_491 = arith.constant 0 : index
    %swap3A_492 = vector.load %arg14[%swap3A_490, %swap3A_491] : memref<1792x384xbf16, #tpu.memory_space<vmem>>, vector<32x384xbf16>
    tpu.vector_store %arg14[%swap3A_490, %swap3A_491], %reshape3A_486 {strides = array<i32>} : memref<1792x384xbf16, #tpu.memory_space<vmem>>, vector<32x384xbf16>,
    %get3A_493 = arith.constant 4 : index
    %get3A_494 = arith.constant 20 : index
    %get3A_495 = arith.constant 0 : index
    %get3A_496 = vector.load %arg1[%get3A_493, %get3A_494, %get3A_495] : memref<8x232x384xbf16, #tpu.memory_space<vmem>>, vector<4x8x384xbf16>
    %reshape3A_497 = vector.shape_cast %get3A_496 : vector<4x8x384xbf16> to vector<32x384xbf16>
    %get3A_498 = arith.constant 0 : index
    %get3A_499 = arith.constant 20 : index
    %get3A_500 = arith.constant 0 : index
    %get3A_501 = vector.load %arg2[%get3A_498, %get3A_499, %get3A_500] : memref<8x232x384xbf16, #tpu.memory_space<vmem>>, vector<4x8x384xbf16>
    %reshape3A_502 = vector.shape_cast %get3A_501 : vector<4x8x384xbf16> to vector<32x384xbf16>
    %swap3A_503 = arith.constant 128 : index
    %swap3A_504 = arith.constant 0 : index
    %swap3A_505 = vector.load %arg14[%swap3A_503, %swap3A_504] : memref<1792x384xbf16, #tpu.memory_space<vmem>>, vector<32x384xbf16>
    tpu.vector_store %arg14[%swap3A_503, %swap3A_504], %reshape3A_497 {strides = array<i32>} : memref<1792x384xbf16, #tpu.memory_space<vmem>>, vector<32x384xbf16>,
    %swap3A_506 = arith.constant 160 : index
    %swap3A_507 = arith.constant 0 : index
    %swap3A_508 = vector.load %arg14[%swap3A_506, %swap3A_507] : memref<1792x384xbf16, #tpu.memory_space<vmem>>, vector<32x384xbf16>
    tpu.vector_store %arg14[%swap3A_506, %swap3A_507], %reshape3A_502 {strides = array<i32>} : memref<1792x384xbf16, #tpu.memory_space<vmem>>, vector<32x384xbf16>,
    %get3A_509 = arith.constant 4 : index
    %get3A_510 = arith.constant 28 : index
    %get3A_511 = arith.constant 0 : index
    %get3A_512 = vector.load %arg1[%get3A_509, %get3A_510, %get3A_511] : memref<8x232x384xbf16, #tpu.memory_space<vmem>>, vector<4x8x384xbf16>
    %reshape3A_513 = vector.shape_cast %get3A_512 : vector<4x8x384xbf16> to vector<32x384xbf16>
    %get3A_514 = arith.constant 0 : index
    %get3A_515 = arith.constant 28 : index
    %get3A_516 = arith.constant 0 : index
    %get3A_517 = vector.load %arg2[%get3A_514, %get3A_515, %get3A_516] : memref<8x232x384xbf16, #tpu.memory_space<vmem>>, vector<4x8x384xbf16>
    %reshape3A_518 = vector.shape_cast %get3A_517 : vector<4x8x384xbf16> to vector<32x384xbf16>
    %swap3A_519 = arith.constant 192 : index
    %swap3A_520 = arith.constant 0 : index
    %swap3A_521 = vector.load %arg14[%swap3A_519, %swap3A_520] : memref<1792x384xbf16, #tpu.memory_space<vmem>>, vector<32x384xbf16>
    tpu.vector_store %arg14[%swap3A_519, %swap3A_520], %reshape3A_513 {strides = array<i32>} : memref<1792x384xbf16, #tpu.memory_space<vmem>>, vector<32x384xbf16>,
    %swap3A_522 = arith.constant 224 : index
    %swap3A_523 = arith.constant 0 : index
    %swap3A_524 = vector.load %arg14[%swap3A_522, %swap3A_523] : memref<1792x384xbf16, #tpu.memory_space<vmem>>, vector<32x384xbf16>
    tpu.vector_store %arg14[%swap3A_522, %swap3A_523], %reshape3A_518 {strides = array<i32>} : memref<1792x384xbf16, #tpu.memory_space<vmem>>, vector<32x384xbf16>,
    %get3A_525 = arith.constant 4 : index
    %get3A_526 = arith.constant 36 : index
    %get3A_527 = arith.constant 0 : index
    %get3A_528 = vector.load %arg1[%get3A_525, %get3A_526, %get3A_527] : memref<8x232x384xbf16, #tpu.memory_space<vmem>>, vector<4x8x384xbf16>
    %reshape3A_529 = vector.shape_cast %get3A_528 : vector<4x8x384xbf16> to vector<32x384xbf16>
    %get3A_530 = arith.constant 0 : index
    %get3A_531 = arith.constant 36 : index
    %get3A_532 = arith.constant 0 : index
    %get3A_533 = vector.load %arg2[%get3A_530, %get3A_531, %get3A_532] : memref<8x232x384xbf16, #tpu.memory_space<vmem>>, vector<4x8x384xbf16>
    %reshape3A_534 = vector.shape_cast %get3A_533 : vector<4x8x384xbf16> to vector<32x384xbf16>
    %swap3A_535 = arith.constant 256 : index
    %swap3A_536 = arith.constant 0 : index
    %swap3A_537 = vector.load %arg14[%swap3A_535, %swap3A_536] : memref<1792x384xbf16, #tpu.memory_space<vmem>>, vector<32x384xbf16>
    tpu.vector_store %arg14[%swap3A_535, %swap3A_536], %reshape3A_529 {strides = array<i32>} : memref<1792x384xbf16, #tpu.memory_space<vmem>>, vector<32x384xbf16>,
    %swap3A_538 = arith.constant 288 : index
    %swap3A_539 = arith.constant 0 : index
    %swap3A_540 = vector.load %arg14[%swap3A_538, %swap3A_539] : memref<1792x384xbf16, #tpu.memory_space<vmem>>, vector<32x384xbf16>
    tpu.vector_store %arg14[%swap3A_538, %swap3A_539], %reshape3A_534 {strides = array<i32>} : memref<1792x384xbf16, #tpu.memory_space<vmem>>, vector<32x384xbf16>,
    %get3A_541 = arith.constant 4 : index
    %get3A_542 = arith.constant 44 : index
    %get3A_543 = arith.constant 0 : index
    %get3A_544 = vector.load %arg1[%get3A_541, %get3A_542, %get3A_543] : memref<8x232x384xbf16, #tpu.memory_space<vmem>>, vector<4x8x384xbf16>
    %reshape3A_545 = vector.shape_cast %get3A_544 : vector<4x8x384xbf16> to vector<32x384xbf16>
    %get3A_546 = arith.constant 0 : index
    %get3A_547 = arith.constant 44 : index
    %get3A_548 = arith.constant 0 : index
    %get3A_549 = vector.load %arg2[%get3A_546, %get3A_547, %get3A_548] : memref<8x232x384xbf16, #tpu.memory_space<vmem>>, vector<4x8x384xbf16>
    %reshape3A_550 = vector.shape_cast %get3A_549 : vector<4x8x384xbf16> to vector<32x384xbf16>
    %swap3A_551 = arith.constant 320 : index
    %swap3A_552 = arith.constant 0 : index
    %swap3A_553 = vector.load %arg14[%swap3A_551, %swap3A_552] : memref<1792x384xbf16, #tpu.memory_space<vmem>>, vector<32x384xbf16>
    tpu.vector_store %arg14[%swap3A_551, %swap3A_552], %reshape3A_545 {strides = array<i32>} : memref<1792x384xbf16, #tpu.memory_space<vmem>>, vector<32x384xbf16>,
    %swap3A_554 = arith.constant 352 : index
    %swap3A_555 = arith.constant 0 : index
    %swap3A_556 = vector.load %arg14[%swap3A_554, %swap3A_555] : memref<1792x384xbf16, #tpu.memory_space<vmem>>, vector<32x384xbf16>
    tpu.vector_store %arg14[%swap3A_554, %swap3A_555], %reshape3A_550 {strides = array<i32>} : memref<1792x384xbf16, #tpu.memory_space<vmem>>, vector<32x384xbf16>,
    %get3A_557 = arith.constant 4 : index
    %get3A_558 = arith.constant 52 : index
    %get3A_559 = arith.constant 0 : index
    %get3A_560 = vector.load %arg1[%get3A_557, %get3A_558, %get3A_559] : memref<8x232x384xbf16, #tpu.memory_space<vmem>>, vector<4x8x384xbf16>
    %reshape3A_561 = vector.shape_cast %get3A_560 : vector<4x8x384xbf16> to vector<32x384xbf16>
    %get3A_562 = arith.constant 0 : index
    %get3A_563 = arith.constant 52 : index
    %get3A_564 = arith.constant 0 : index
    %get3A_565 = vector.load %arg2[%get3A_562, %get3A_563, %get3A_564] : memref<8x232x384xbf16, #tpu.memory_space<vmem>>, vector<4x8x384xbf16>
    %reshape3A_566 = vector.shape_cast %get3A_565 : vector<4x8x384xbf16> to vector<32x384xbf16>
    %swap3A_567 = arith.constant 384 : index
    %swap3A_568 = arith.constant 0 : index
    %swap3A_569 = vector.load %arg14[%swap3A_567, %swap3A_568] : memref<1792x384xbf16, #tpu.memory_space<vmem>>, vector<32x384xbf16>
    tpu.vector_store %arg14[%swap3A_567, %swap3A_568], %reshape3A_561 {strides = array<i32>} : memref<1792x384xbf16, #tpu.memory_space<vmem>>, vector<32x384xbf16>,
    %swap3A_570 = arith.constant 416 : index
    %swap3A_571 = arith.constant 0 : index
    %swap3A_572 = vector.load %arg14[%swap3A_570, %swap3A_571] : memref<1792x384xbf16, #tpu.memory_space<vmem>>, vector<32x384xbf16>
    tpu.vector_store %arg14[%swap3A_570, %swap3A_571], %reshape3A_566 {strides = array<i32>} : memref<1792x384xbf16, #tpu.memory_space<vmem>>, vector<32x384xbf16>,
    %get3A_573 = arith.constant 4 : index
    %get3A_574 = arith.constant 60 : index
    %get3A_575 = arith.constant 0 : index
    %get3A_576 = vector.load %arg1[%get3A_573, %get3A_574, %get3A_575] : memref<8x232x384xbf16, #tpu.memory_space<vmem>>, vector<4x8x384xbf16>
    %reshape3A_577 = vector.shape_cast %get3A_576 : vector<4x8x384xbf16> to vector<32x384xbf16>
    %get3A_578 = arith.constant 0 : index
    %get3A_579 = arith.constant 60 : index
    %get3A_580 = arith.constant 0 : index
    %get3A_581 = vector.load %arg2[%get3A_578, %get3A_579, %get3A_580] : memref<8x232x384xbf16, #tpu.memory_space<vmem>>, vector<4x8x384xbf16>
    %reshape3A_582 = vector.shape_cast %get3A_581 : vector<4x8x384xbf16> to vector<32x384xbf16>
    %swap3A_583 = arith.constant 448 : index
    %swap3A_584 = arith.constant 0 : index
    %swap3A_585 = vector.load %arg14[%swap3A_583, %swap3A_584] : memref<1792x384xbf16, #tpu.memory_space<vmem>>, vector<32x384xbf16>
    tpu.vector_store %arg14[%swap3A_583, %swap3A_584], %reshape3A_577 {strides = array<i32>} : memref<1792x384xbf16, #tpu.memory_space<vmem>>, vector<32x384xbf16>,
    %swap3A_586 = arith.constant 480 : index
    %swap3A_587 = arith.constant 0 : index
    %swap3A_588 = vector.load %arg14[%swap3A_586, %swap3A_587] : memref<1792x384xbf16, #tpu.memory_space<vmem>>, vector<32x384xbf16>
    tpu.vector_store %arg14[%swap3A_586, %swap3A_587], %reshape3A_582 {strides = array<i32>} : memref<1792x384xbf16, #tpu.memory_space<vmem>>, vector<32x384xbf16>,
    %get3A_589 = arith.constant 4 : index
    %get3A_590 = arith.constant 68 : index
    %get3A_591 = arith.constant 0 : index
    %get3A_592 = vector.load %arg1[%get3A_589, %get3A_590, %get3A_591] : memref<8x232x384xbf16, #tpu.memory_space<vmem>>, vector<4x8x384xbf16>
    %reshape3A_593 = vector.shape_cast %get3A_592 : vector<4x8x384xbf16> to vector<32x384xbf16>
    %get3A_594 = arith.constant 0 : index
    %get3A_595 = arith.constant 68 : index
    %get3A_596 = arith.constant 0 : index
    %get3A_597 = vector.load %arg2[%get3A_594, %get3A_595, %get3A_596] : memref<8x232x384xbf16, #tpu.memory_space<vmem>>, vector<4x8x384xbf16>
    %reshape3A_598 = vector.shape_cast %get3A_597 : vector<4x8x384xbf16> to vector<32x384xbf16>
    %swap3A_599 = arith.constant 512 : index
    %swap3A_600 = arith.constant 0 : index
    %swap3A_601 = vector.load %arg14[%swap3A_599, %swap3A_600] : memref<1792x384xbf16, #tpu.memory_space<vmem>>, vector<32x384xbf16>
    tpu.vector_store %arg14[%swap3A_599, %swap3A_600], %reshape3A_593 {strides = array<i32>} : memref<1792x384xbf16, #tpu.memory_space<vmem>>, vector<32x384xbf16>,
    %swap3A_602 = arith.constant 544 : index
    %swap3A_603 = arith.constant 0 : index
    %swap3A_604 = vector.load %arg14[%swap3A_602, %swap3A_603] : memref<1792x384xbf16, #tpu.memory_space<vmem>>, vector<32x384xbf16>
    tpu.vector_store %arg14[%swap3A_602, %swap3A_603], %reshape3A_598 {strides = array<i32>} : memref<1792x384xbf16, #tpu.memory_space<vmem>>, vector<32x384xbf16>,
    %get3A_605 = arith.constant 4 : index
    %get3A_606 = arith.constant 76 : index
    %get3A_607 = arith.constant 0 : index
    %get3A_608 = vector.load %arg1[%get3A_605, %get3A_606, %get3A_607] : memref<8x232x384xbf16, #tpu.memory_space<vmem>>, vector<4x8x384xbf16>
    %reshape3A_609 = vector.shape_cast %get3A_608 : vector<4x8x384xbf16> to vector<32x384xbf16>
    %get3A_610 = arith.constant 0 : index
    %get3A_611 = arith.constant 76 : index
    %get3A_612 = arith.constant 0 : index
    %get3A_613 = vector.load %arg2[%get3A_610, %get3A_611, %get3A_612] : memref<8x232x384xbf16, #tpu.memory_space<vmem>>, vector<4x8x384xbf16>
    %reshape3A_614 = vector.shape_cast %get3A_613 : vector<4x8x384xbf16> to vector<32x384xbf16>
    %swap3A_615 = arith.constant 576 : index
    %swap3A_616 = arith.constant 0 : index
    %swap3A_617 = vector.load %arg14[%swap3A_615, %swap3A_616] : memref<1792x384xbf16, #tpu.memory_space<vmem>>, vector<32x384xbf16>
    tpu.vector_store %arg14[%swap3A_615, %swap3A_616], %reshape3A_609 {strides = array<i32>} : memref<1792x384xbf16, #tpu.memory_space<vmem>>, vector<32x384xbf16>,
    %swap3A_618 = arith.constant 608 : index
    %swap3A_619 = arith.constant 0 : index
    %swap3A_620 = vector.load %arg14[%swap3A_618, %swap3A_619] : memref<1792x384xbf16, #tpu.memory_space<vmem>>, vector<32x384xbf16>
    tpu.vector_store %arg14[%swap3A_618, %swap3A_619], %reshape3A_614 {strides = array<i32>} : memref<1792x384xbf16, #tpu.memory_space<vmem>>, vector<32x384xbf16>,
    %get3A_621 = arith.constant 4 : index
    %get3A_622 = arith.constant 84 : index
    %get3A_623 = arith.constant 0 : index
    %get3A_624 = vector.load %arg1[%get3A_621, %get3A_622, %get3A_623] : memref<8x232x384xbf16, #tpu.memory_space<vmem>>, vector<4x8x384xbf16>
    %reshape3A_625 = vector.shape_cast %get3A_624 : vector<4x8x384xbf16> to vector<32x384xbf16>
    %get3A_626 = arith.constant 0 : index
    %get3A_627 = arith.constant 84 : index
    %get3A_628 = arith.constant 0 : index
    %get3A_629 = vector.load %arg2[%get3A_626, %get3A_627, %get3A_628] : memref<8x232x384xbf16, #tpu.memory_space<vmem>>, vector<4x8x384xbf16>
    %reshape3A_630 = vector.shape_cast %get3A_629 : vector<4x8x384xbf16> to vector<32x384xbf16>
    %swap3A_631 = arith.constant 640 : index
    %swap3A_632 = arith.constant 0 : index
    %swap3A_633 = vector.load %arg14[%swap3A_631, %swap3A_632] : memref<1792x384xbf16, #tpu.memory_space<vmem>>, vector<32x384xbf16>
    tpu.vector_store %arg14[%swap3A_631, %swap3A_632], %reshape3A_625 {strides = array<i32>} : memref<1792x384xbf16, #tpu.memory_space<vmem>>, vector<32x384xbf16>,
    %swap3A_634 = arith.constant 672 : index
    %swap3A_635 = arith.constant 0 : index
    %swap3A_636 = vector.load %arg14[%swap3A_634, %swap3A_635] : memref<1792x384xbf16, #tpu.memory_space<vmem>>, vector<32x384xbf16>
    tpu.vector_store %arg14[%swap3A_634, %swap3A_635], %reshape3A_630 {strides = array<i32>} : memref<1792x384xbf16, #tpu.memory_space<vmem>>, vector<32x384xbf16>,
    %get3A_637 = arith.constant 4 : index
    %get3A_638 = arith.constant 92 : index
    %get3A_639 = arith.constant 0 : index
    %get3A_640 = vector.load %arg1[%get3A_637, %get3A_638, %get3A_639] : memref<8x232x384xbf16, #tpu.memory_space<vmem>>, vector<4x8x384xbf16>
    %reshape3A_641 = vector.shape_cast %get3A_640 : vector<4x8x384xbf16> to vector<32x384xbf16>
    %get3A_642 = arith.constant 0 : index
    %get3A_643 = arith.constant 92 : index
    %get3A_644 = arith.constant 0 : index
    %get3A_645 = vector.load %arg2[%get3A_642, %get3A_643, %get3A_644] : memref<8x232x384xbf16, #tpu.memory_space<vmem>>, vector<4x8x384xbf16>
    %reshape3A_646 = vector.shape_cast %get3A_645 : vector<4x8x384xbf16> to vector<32x384xbf16>
    %swap3A_647 = arith.constant 704 : index
    %swap3A_648 = arith.constant 0 : index
    %swap3A_649 = vector.load %arg14[%swap3A_647, %swap3A_648] : memref<1792x384xbf16, #tpu.memory_space<vmem>>, vector<32x384xbf16>
    tpu.vector_store %arg14[%swap3A_647, %swap3A_648], %reshape3A_641 {strides = array<i32>} : memref<1792x384xbf16, #tpu.memory_space<vmem>>, vector<32x384xbf16>,
    %swap3A_650 = arith.constant 736 : index
    %swap3A_651 = arith.constant 0 : index
    %swap3A_652 = vector.load %arg14[%swap3A_650, %swap3A_651] : memref<1792x384xbf16, #tpu.memory_space<vmem>>, vector<32x384xbf16>
    tpu.vector_store %arg14[%swap3A_650, %swap3A_651], %reshape3A_646 {strides = array<i32>} : memref<1792x384xbf16, #tpu.memory_space<vmem>>, vector<32x384xbf16>,
    %get3A_653 = arith.constant 4 : index
    %get3A_654 = arith.constant 100 : index
    %get3A_655 = arith.constant 0 : index
    %get3A_656 = vector.load %arg1[%get3A_653, %get3A_654, %get3A_655] : memref<8x232x384xbf16, #tpu.memory_space<vmem>>, vector<4x8x384xbf16>
    %reshape3A_657 = vector.shape_cast %get3A_656 : vector<4x8x384xbf16> to vector<32x384xbf16>
    %get3A_658 = arith.constant 0 : index
    %get3A_659 = arith.constant 100 : index
    %get3A_660 = arith.constant 0 : index
    %get3A_661 = vector.load %arg2[%get3A_658, %get3A_659, %get3A_660] : memref<8x232x384xbf16, #tpu.memory_space<vmem>>, vector<4x8x384xbf16>
    %reshape3A_662 = vector.shape_cast %get3A_661 : vector<4x8x384xbf16> to vector<32x384xbf16>
    %swap3A_663 = arith.constant 768 : index
    %swap3A_664 = arith.constant 0 : index
    %swap3A_665 = vector.load %arg14[%swap3A_663, %swap3A_664] : memref<1792x384xbf16, #tpu.memory_space<vmem>>, vector<32x384xbf16>
    tpu.vector_store %arg14[%swap3A_663, %swap3A_664], %reshape3A_657 {strides = array<i32>} : memref<1792x384xbf16, #tpu.memory_space<vmem>>, vector<32x384xbf16>,
    %swap3A_666 = arith.constant 800 : index
    %swap3A_667 = arith.constant 0 : index
    %swap3A_668 = vector.load %arg14[%swap3A_666, %swap3A_667] : memref<1792x384xbf16, #tpu.memory_space<vmem>>, vector<32x384xbf16>
    tpu.vector_store %arg14[%swap3A_666, %swap3A_667], %reshape3A_662 {strides = array<i32>} : memref<1792x384xbf16, #tpu.memory_space<vmem>>, vector<32x384xbf16>,
    %get3A_669 = arith.constant 4 : index
    %get3A_670 = arith.constant 108 : index
    %get3A_671 = arith.constant 0 : index
    %get3A_672 = vector.load %arg1[%get3A_669, %get3A_670, %get3A_671] : memref<8x232x384xbf16, #tpu.memory_space<vmem>>, vector<4x8x384xbf16>
    %reshape3A_673 = vector.shape_cast %get3A_672 : vector<4x8x384xbf16> to vector<32x384xbf16>
    %get3A_674 = arith.constant 0 : index
    %get3A_675 = arith.constant 108 : index
    %get3A_676 = arith.constant 0 : index
    %get3A_677 = vector.load %arg2[%get3A_674, %get3A_675, %get3A_676] : memref<8x232x384xbf16, #tpu.memory_space<vmem>>, vector<4x8x384xbf16>
    %reshape3A_678 = vector.shape_cast %get3A_677 : vector<4x8x384xbf16> to vector<32x384xbf16>
    %swap3A_679 = arith.constant 832 : index
    %swap3A_680 = arith.constant 0 : index
    %swap3A_681 = vector.load %arg14[%swap3A_679, %swap3A_680] : memref<1792x384xbf16, #tpu.memory_space<vmem>>, vector<32x384xbf16>
    tpu.vector_store %arg14[%swap3A_679, %swap3A_680], %reshape3A_673 {strides = array<i32>} : memref<1792x384xbf16, #tpu.memory_space<vmem>>, vector<32x384xbf16>,
    %swap3A_682 = arith.constant 864 : index
    %swap3A_683 = arith.constant 0 : index
    %swap3A_684 = vector.load %arg14[%swap3A_682, %swap3A_683] : memref<1792x384xbf16, #tpu.memory_space<vmem>>, vector<32x384xbf16>
    tpu.vector_store %arg14[%swap3A_682, %swap3A_683], %reshape3A_678 {strides = array<i32>} : memref<1792x384xbf16, #tpu.memory_space<vmem>>, vector<32x384xbf16>,
    %get3A_685 = arith.constant 4 : index
    %get3A_686 = arith.constant 116 : index
    %get3A_687 = arith.constant 0 : index
    %get3A_688 = vector.load %arg1[%get3A_685, %get3A_686, %get3A_687] : memref<8x232x384xbf16, #tpu.memory_space<vmem>>, vector<4x8x384xbf16>
    %reshape3A_689 = vector.shape_cast %get3A_688 : vector<4x8x384xbf16> to vector<32x384xbf16>
    %get3A_690 = arith.constant 0 : index
    %get3A_691 = arith.constant 116 : index
    %get3A_692 = arith.constant 0 : index
    %get3A_693 = vector.load %arg2[%get3A_690, %get3A_691, %get3A_692] : memref<8x232x384xbf16, #tpu.memory_space<vmem>>, vector<4x8x384xbf16>
    %reshape3A_694 = vector.shape_cast %get3A_693 : vector<4x8x384xbf16> to vector<32x384xbf16>
    %swap3A_695 = arith.constant 896 : index
    %swap3A_696 = arith.constant 0 : index
    %swap3A_697 = vector.load %arg14[%swap3A_695, %swap3A_696] : memref<1792x384xbf16, #tpu.memory_space<vmem>>, vector<32x384xbf16>
    tpu.vector_store %arg14[%swap3A_695, %swap3A_696], %reshape3A_689 {strides = array<i32>} : memref<1792x384xbf16, #tpu.memory_space<vmem>>, vector<32x384xbf16>,
    %swap3A_698 = arith.constant 928 : index
    %swap3A_699 = arith.constant 0 : index
    %swap3A_700 = vector.load %arg14[%swap3A_698, %swap3A_699] : memref<1792x384xbf16, #tpu.memory_space<vmem>>, vector<32x384xbf16>
    tpu.vector_store %arg14[%swap3A_698, %swap3A_699], %reshape3A_694 {strides = array<i32>} : memref<1792x384xbf16, #tpu.memory_space<vmem>>, vector<32x384xbf16>,
    %get3A_701 = arith.constant 4 : index
    %get3A_702 = arith.constant 124 : index
    %get3A_703 = arith.constant 0 : index
    %get3A_704 = vector.load %arg1[%get3A_701, %get3A_702, %get3A_703] : memref<8x232x384xbf16, #tpu.memory_space<vmem>>, vector<4x8x384xbf16>
    %reshape3A_705 = vector.shape_cast %get3A_704 : vector<4x8x384xbf16> to vector<32x384xbf16>
    %get3A_706 = arith.constant 0 : index
    %get3A_707 = arith.constant 124 : index
    %get3A_708 = arith.constant 0 : index
    %get3A_709 = vector.load %arg2[%get3A_706, %get3A_707, %get3A_708] : memref<8x232x384xbf16, #tpu.memory_space<vmem>>, vector<4x8x384xbf16>
    %reshape3A_710 = vector.shape_cast %get3A_709 : vector<4x8x384xbf16> to vector<32x384xbf16>
    %swap3A_711 = arith.constant 960 : index
    %swap3A_712 = arith.constant 0 : index
    %swap3A_713 = vector.load %arg14[%swap3A_711, %swap3A_712] : memref<1792x384xbf16, #tpu.memory_space<vmem>>, vector<32x384xbf16>
    tpu.vector_store %arg14[%swap3A_711, %swap3A_712], %reshape3A_705 {strides = array<i32>} : memref<1792x384xbf16, #tpu.memory_space<vmem>>, vector<32x384xbf16>,
    %swap3A_714 = arith.constant 992 : index
    %swap3A_715 = arith.constant 0 : index
    %swap3A_716 = vector.load %arg14[%swap3A_714, %swap3A_715] : memref<1792x384xbf16, #tpu.memory_space<vmem>>, vector<32x384xbf16>
    tpu.vector_store %arg14[%swap3A_714, %swap3A_715], %reshape3A_710 {strides = array<i32>} : memref<1792x384xbf16, #tpu.memory_space<vmem>>, vector<32x384xbf16>,
    %get3A_717 = arith.constant 4 : index
    %get3A_718 = arith.constant 132 : index
    %get3A_719 = arith.constant 0 : index
    %get3A_720 = vector.load %arg1[%get3A_717, %get3A_718, %get3A_719] : memref<8x232x384xbf16, #tpu.memory_space<vmem>>, vector<4x8x384xbf16>
    %reshape3A_721 = vector.shape_cast %get3A_720 : vector<4x8x384xbf16> to vector<32x384xbf16>
    %get3A_722 = arith.constant 0 : index
    %get3A_723 = arith.constant 132 : index
    %get3A_724 = arith.constant 0 : index
    %get3A_725 = vector.load %arg2[%get3A_722, %get3A_723, %get3A_724] : memref<8x232x384xbf16, #tpu.memory_space<vmem>>, vector<4x8x384xbf16>
    %reshape3A_726 = vector.shape_cast %get3A_725 : vector<4x8x384xbf16> to vector<32x384xbf16>
    %swap3A_727 = arith.constant 1024 : index
    %swap3A_728 = arith.constant 0 : index
    %swap3A_729 = vector.load %arg14[%swap3A_727, %swap3A_728] : memref<1792x384xbf16, #tpu.memory_space<vmem>>, vector<32x384xbf16>
    tpu.vector_store %arg14[%swap3A_727, %swap3A_728], %reshape3A_721 {strides = array<i32>} : memref<1792x384xbf16, #tpu.memory_space<vmem>>, vector<32x384xbf16>,
    %swap3A_730 = arith.constant 1056 : index
    %swap3A_731 = arith.constant 0 : index
    %swap3A_732 = vector.load %arg14[%swap3A_730, %swap3A_731] : memref<1792x384xbf16, #tpu.memory_space<vmem>>, vector<32x384xbf16>
    tpu.vector_store %arg14[%swap3A_730, %swap3A_731], %reshape3A_726 {strides = array<i32>} : memref<1792x384xbf16, #tpu.memory_space<vmem>>, vector<32x384xbf16>,
    %get3A_733 = arith.constant 4 : index
    %get3A_734 = arith.constant 140 : index
    %get3A_735 = arith.constant 0 : index
    %get3A_736 = vector.load %arg1[%get3A_733, %get3A_734, %get3A_735] : memref<8x232x384xbf16, #tpu.memory_space<vmem>>, vector<4x8x384xbf16>
    %reshape3A_737 = vector.shape_cast %get3A_736 : vector<4x8x384xbf16> to vector<32x384xbf16>
    %get3A_738 = arith.constant 0 : index
    %get3A_739 = arith.constant 140 : index
    %get3A_740 = arith.constant 0 : index
    %get3A_741 = vector.load %arg2[%get3A_738, %get3A_739, %get3A_740] : memref<8x232x384xbf16, #tpu.memory_space<vmem>>, vector<4x8x384xbf16>
    %reshape3A_742 = vector.shape_cast %get3A_741 : vector<4x8x384xbf16> to vector<32x384xbf16>
    %swap3A_743 = arith.constant 1088 : index
    %swap3A_744 = arith.constant 0 : index
    %swap3A_745 = vector.load %arg14[%swap3A_743, %swap3A_744] : memref<1792x384xbf16, #tpu.memory_space<vmem>>, vector<32x384xbf16>
    tpu.vector_store %arg14[%swap3A_743, %swap3A_744], %reshape3A_737 {strides = array<i32>} : memref<1792x384xbf16, #tpu.memory_space<vmem>>, vector<32x384xbf16>,
    %swap3A_746 = arith.constant 1120 : index
    %swap3A_747 = arith.constant 0 : index
    %swap3A_748 = vector.load %arg14[%swap3A_746, %swap3A_747] : memref<1792x384xbf16, #tpu.memory_space<vmem>>, vector<32x384xbf16>
    tpu.vector_store %arg14[%swap3A_746, %swap3A_747], %reshape3A_742 {strides = array<i32>} : memref<1792x384xbf16, #tpu.memory_space<vmem>>, vector<32x384xbf16>,
    %get3A_749 = arith.constant 4 : index
    %get3A_750 = arith.constant 148 : index
    %get3A_751 = arith.constant 0 : index
    %get3A_752 = vector.load %arg1[%get3A_749, %get3A_750, %get3A_751] : memref<8x232x384xbf16, #tpu.memory_space<vmem>>, vector<4x8x384xbf16>
    %reshape3A_753 = vector.shape_cast %get3A_752 : vector<4x8x384xbf16> to vector<32x384xbf16>
    %get3A_754 = arith.constant 0 : index
    %get3A_755 = arith.constant 148 : index
    %get3A_756 = arith.constant 0 : index
    %get3A_757 = vector.load %arg2[%get3A_754, %get3A_755, %get3A_756] : memref<8x232x384xbf16, #tpu.memory_space<vmem>>, vector<4x8x384xbf16>
    %reshape3A_758 = vector.shape_cast %get3A_757 : vector<4x8x384xbf16> to vector<32x384xbf16>
    %swap3A_759 = arith.constant 1152 : index
    %swap3A_760 = arith.constant 0 : index
    %swap3A_761 = vector.load %arg14[%swap3A_759, %swap3A_760] : memref<1792x384xbf16, #tpu.memory_space<vmem>>, vector<32x384xbf16>
    tpu.vector_store %arg14[%swap3A_759, %swap3A_760], %reshape3A_753 {strides = array<i32>} : memref<1792x384xbf16, #tpu.memory_space<vmem>>, vector<32x384xbf16>,
    %swap3A_762 = arith.constant 1184 : index
    %swap3A_763 = arith.constant 0 : index
    %swap3A_764 = vector.load %arg14[%swap3A_762, %swap3A_763] : memref<1792x384xbf16, #tpu.memory_space<vmem>>, vector<32x384xbf16>
    tpu.vector_store %arg14[%swap3A_762, %swap3A_763], %reshape3A_758 {strides = array<i32>} : memref<1792x384xbf16, #tpu.memory_space<vmem>>, vector<32x384xbf16>,
    %get3A_765 = arith.constant 4 : index
    %get3A_766 = arith.constant 156 : index
    %get3A_767 = arith.constant 0 : index
    %get3A_768 = vector.load %arg1[%get3A_765, %get3A_766, %get3A_767] : memref<8x232x384xbf16, #tpu.memory_space<vmem>>, vector<4x8x384xbf16>
    %reshape3A_769 = vector.shape_cast %get3A_768 : vector<4x8x384xbf16> to vector<32x384xbf16>
    %get3A_770 = arith.constant 0 : index
    %get3A_771 = arith.constant 156 : index
    %get3A_772 = arith.constant 0 : index
    %get3A_773 = vector.load %arg2[%get3A_770, %get3A_771, %get3A_772] : memref<8x232x384xbf16, #tpu.memory_space<vmem>>, vector<4x8x384xbf16>
    %reshape3A_774 = vector.shape_cast %get3A_773 : vector<4x8x384xbf16> to vector<32x384xbf16>
    %swap3A_775 = arith.constant 1216 : index
    %swap3A_776 = arith.constant 0 : index
    %swap3A_777 = vector.load %arg14[%swap3A_775, %swap3A_776] : memref<1792x384xbf16, #tpu.memory_space<vmem>>, vector<32x384xbf16>
    tpu.vector_store %arg14[%swap3A_775, %swap3A_776], %reshape3A_769 {strides = array<i32>} : memref<1792x384xbf16, #tpu.memory_space<vmem>>, vector<32x384xbf16>,
    %swap3A_778 = arith.constant 1248 : index
    %swap3A_779 = arith.constant 0 : index
    %swap3A_780 = vector.load %arg14[%swap3A_778, %swap3A_779] : memref<1792x384xbf16, #tpu.memory_space<vmem>>, vector<32x384xbf16>
    tpu.vector_store %arg14[%swap3A_778, %swap3A_779], %reshape3A_774 {strides = array<i32>} : memref<1792x384xbf16, #tpu.memory_space<vmem>>, vector<32x384xbf16>,
    %get3A_781 = arith.constant 4 : index
    %get3A_782 = arith.constant 164 : index
    %get3A_783 = arith.constant 0 : index
    %get3A_784 = vector.load %arg1[%get3A_781, %get3A_782, %get3A_783] : memref<8x232x384xbf16, #tpu.memory_space<vmem>>, vector<4x8x384xbf16>
    %reshape3A_785 = vector.shape_cast %get3A_784 : vector<4x8x384xbf16> to vector<32x384xbf16>
    %get3A_786 = arith.constant 0 : index
    %get3A_787 = arith.constant 164 : index
    %get3A_788 = arith.constant 0 : index
    %get3A_789 = vector.load %arg2[%get3A_786, %get3A_787, %get3A_788] : memref<8x232x384xbf16, #tpu.memory_space<vmem>>, vector<4x8x384xbf16>
    %reshape3A_790 = vector.shape_cast %get3A_789 : vector<4x8x384xbf16> to vector<32x384xbf16>
    %swap3A_791 = arith.constant 1280 : index
    %swap3A_792 = arith.constant 0 : index
    %swap3A_793 = vector.load %arg14[%swap3A_791, %swap3A_792] : memref<1792x384xbf16, #tpu.memory_space<vmem>>, vector<32x384xbf16>
    tpu.vector_store %arg14[%swap3A_791, %swap3A_792], %reshape3A_785 {strides = array<i32>} : memref<1792x384xbf16, #tpu.memory_space<vmem>>, vector<32x384xbf16>,
    %swap3A_794 = arith.constant 1312 : index
    %swap3A_795 = arith.constant 0 : index
    %swap3A_796 = vector.load %arg14[%swap3A_794, %swap3A_795] : memref<1792x384xbf16, #tpu.memory_space<vmem>>, vector<32x384xbf16>
    tpu.vector_store %arg14[%swap3A_794, %swap3A_795], %reshape3A_790 {strides = array<i32>} : memref<1792x384xbf16, #tpu.memory_space<vmem>>, vector<32x384xbf16>,
    %get3A_797 = arith.constant 4 : index
    %get3A_798 = arith.constant 172 : index
    %get3A_799 = arith.constant 0 : index
    %get3A_800 = vector.load %arg1[%get3A_797, %get3A_798, %get3A_799] : memref<8x232x384xbf16, #tpu.memory_space<vmem>>, vector<4x8x384xbf16>
    %reshape3A_801 = vector.shape_cast %get3A_800 : vector<4x8x384xbf16> to vector<32x384xbf16>
    %get3A_802 = arith.constant 0 : index
    %get3A_803 = arith.constant 172 : index
    %get3A_804 = arith.constant 0 : index
    %get3A_805 = vector.load %arg2[%get3A_802, %get3A_803, %get3A_804] : memref<8x232x384xbf16, #tpu.memory_space<vmem>>, vector<4x8x384xbf16>
    %reshape3A_806 = vector.shape_cast %get3A_805 : vector<4x8x384xbf16> to vector<32x384xbf16>
    %swap3A_807 = arith.constant 1344 : index
    %swap3A_808 = arith.constant 0 : index
    %swap3A_809 = vector.load %arg14[%swap3A_807, %swap3A_808] : memref<1792x384xbf16, #tpu.memory_space<vmem>>, vector<32x384xbf16>
    tpu.vector_store %arg14[%swap3A_807, %swap3A_808], %reshape3A_801 {strides = array<i32>} : memref<1792x384xbf16, #tpu.memory_space<vmem>>, vector<32x384xbf16>,
    %swap3A_810 = arith.constant 1376 : index
    %swap3A_811 = arith.constant 0 : index
    %swap3A_812 = vector.load %arg14[%swap3A_810, %swap3A_811] : memref<1792x384xbf16, #tpu.memory_space<vmem>>, vector<32x384xbf16>
    tpu.vector_store %arg14[%swap3A_810, %swap3A_811], %reshape3A_806 {strides = array<i32>} : memref<1792x384xbf16, #tpu.memory_space<vmem>>, vector<32x384xbf16>,
    %get3A_813 = arith.constant 4 : index
    %get3A_814 = arith.constant 180 : index
    %get3A_815 = arith.constant 0 : index
    %get3A_816 = vector.load %arg1[%get3A_813, %get3A_814, %get3A_815] : memref<8x232x384xbf16, #tpu.memory_space<vmem>>, vector<4x8x384xbf16>
    %reshape3A_817 = vector.shape_cast %get3A_816 : vector<4x8x384xbf16> to vector<32x384xbf16>
    %get3A_818 = arith.constant 0 : index
    %get3A_819 = arith.constant 180 : index
    %get3A_820 = arith.constant 0 : index
    %get3A_821 = vector.load %arg2[%get3A_818, %get3A_819, %get3A_820] : memref<8x232x384xbf16, #tpu.memory_space<vmem>>, vector<4x8x384xbf16>
    %reshape3A_822 = vector.shape_cast %get3A_821 : vector<4x8x384xbf16> to vector<32x384xbf16>
    %swap3A_823 = arith.constant 1408 : index
    %swap3A_824 = arith.constant 0 : index
    %swap3A_825 = vector.load %arg14[%swap3A_823, %swap3A_824] : memref<1792x384xbf16, #tpu.memory_space<vmem>>, vector<32x384xbf16>
    tpu.vector_store %arg14[%swap3A_823, %swap3A_824], %reshape3A_817 {strides = array<i32>} : memref<1792x384xbf16, #tpu.memory_space<vmem>>, vector<32x384xbf16>,
    %swap3A_826 = arith.constant 1440 : index
    %swap3A_827 = arith.constant 0 : index
    %swap3A_828 = vector.load %arg14[%swap3A_826, %swap3A_827] : memref<1792x384xbf16, #tpu.memory_space<vmem>>, vector<32x384xbf16>
    tpu.vector_store %arg14[%swap3A_826, %swap3A_827], %reshape3A_822 {strides = array<i32>} : memref<1792x384xbf16, #tpu.memory_space<vmem>>, vector<32x384xbf16>,
    %get3A_829 = arith.constant 4 : index
    %get3A_830 = arith.constant 188 : index
    %get3A_831 = arith.constant 0 : index
    %get3A_832 = vector.load %arg1[%get3A_829, %get3A_830, %get3A_831] : memref<8x232x384xbf16, #tpu.memory_space<vmem>>, vector<4x8x384xbf16>
    %reshape3A_833 = vector.shape_cast %get3A_832 : vector<4x8x384xbf16> to vector<32x384xbf16>
    %get3A_834 = arith.constant 0 : index
    %get3A_835 = arith.constant 188 : index
    %get3A_836 = arith.constant 0 : index
    %get3A_837 = vector.load %arg2[%get3A_834, %get3A_835, %get3A_836] : memref<8x232x384xbf16, #tpu.memory_space<vmem>>, vector<4x8x384xbf16>
    %reshape3A_838 = vector.shape_cast %get3A_837 : vector<4x8x384xbf16> to vector<32x384xbf16>
    %swap3A_839 = arith.constant 1472 : index
    %swap3A_840 = arith.constant 0 : index
    %swap3A_841 = vector.load %arg14[%swap3A_839, %swap3A_840] : memref<1792x384xbf16, #tpu.memory_space<vmem>>, vector<32x384xbf16>
    tpu.vector_store %arg14[%swap3A_839, %swap3A_840], %reshape3A_833 {strides = array<i32>} : memref<1792x384xbf16, #tpu.memory_space<vmem>>, vector<32x384xbf16>,
    %swap3A_842 = arith.constant 1504 : index
    %swap3A_843 = arith.constant 0 : index
    %swap3A_844 = vector.load %arg14[%swap3A_842, %swap3A_843] : memref<1792x384xbf16, #tpu.memory_space<vmem>>, vector<32x384xbf16>
    tpu.vector_store %arg14[%swap3A_842, %swap3A_843], %reshape3A_838 {strides = array<i32>} : memref<1792x384xbf16, #tpu.memory_space<vmem>>, vector<32x384xbf16>,
    %get3A_845 = arith.constant 4 : index
    %get3A_846 = arith.constant 196 : index
    %get3A_847 = arith.constant 0 : index
    %get3A_848 = vector.load %arg1[%get3A_845, %get3A_846, %get3A_847] : memref<8x232x384xbf16, #tpu.memory_space<vmem>>, vector<4x8x384xbf16>
    %reshape3A_849 = vector.shape_cast %get3A_848 : vector<4x8x384xbf16> to vector<32x384xbf16>
    %get3A_850 = arith.constant 0 : index
    %get3A_851 = arith.constant 196 : index
    %get3A_852 = arith.constant 0 : index
    %get3A_853 = vector.load %arg2[%get3A_850, %get3A_851, %get3A_852] : memref<8x232x384xbf16, #tpu.memory_space<vmem>>, vector<4x8x384xbf16>
    %reshape3A_854 = vector.shape_cast %get3A_853 : vector<4x8x384xbf16> to vector<32x384xbf16>
    %swap3A_855 = arith.constant 1536 : index
    %swap3A_856 = arith.constant 0 : index
    %swap3A_857 = vector.load %arg14[%swap3A_855, %swap3A_856] : memref<1792x384xbf16, #tpu.memory_space<vmem>>, vector<32x384xbf16>
    tpu.vector_store %arg14[%swap3A_855, %swap3A_856], %reshape3A_849 {strides = array<i32>} : memref<1792x384xbf16, #tpu.memory_space<vmem>>, vector<32x384xbf16>,
    %swap3A_858 = arith.constant 1568 : index
    %swap3A_859 = arith.constant 0 : index
    %swap3A_860 = vector.load %arg14[%swap3A_858, %swap3A_859] : memref<1792x384xbf16, #tpu.memory_space<vmem>>, vector<32x384xbf16>
    tpu.vector_store %arg14[%swap3A_858, %swap3A_859], %reshape3A_854 {strides = array<i32>} : memref<1792x384xbf16, #tpu.memory_space<vmem>>, vector<32x384xbf16>,
    %get3A_861 = arith.constant 4 : index
    %get3A_862 = arith.constant 204 : index
    %get3A_863 = arith.constant 0 : index
    %get3A_864 = vector.load %arg1[%get3A_861, %get3A_862, %get3A_863] : memref<8x232x384xbf16, #tpu.memory_space<vmem>>, vector<4x8x384xbf16>
    %reshape3A_865 = vector.shape_cast %get3A_864 : vector<4x8x384xbf16> to vector<32x384xbf16>
    %get3A_866 = arith.constant 0 : index
    %get3A_867 = arith.constant 204 : index
    %get3A_868 = arith.constant 0 : index
    %get3A_869 = vector.load %arg2[%get3A_866, %get3A_867, %get3A_868] : memref<8x232x384xbf16, #tpu.memory_space<vmem>>, vector<4x8x384xbf16>
    %reshape3A_870 = vector.shape_cast %get3A_869 : vector<4x8x384xbf16> to vector<32x384xbf16>
    %swap3A_871 = arith.constant 1600 : index
    %swap3A_872 = arith.constant 0 : index
    %swap3A_873 = vector.load %arg14[%swap3A_871, %swap3A_872] : memref<1792x384xbf16, #tpu.memory_space<vmem>>, vector<32x384xbf16>
    tpu.vector_store %arg14[%swap3A_871, %swap3A_872], %reshape3A_865 {strides = array<i32>} : memref<1792x384xbf16, #tpu.memory_space<vmem>>, vector<32x384xbf16>,
    %swap3A_874 = arith.constant 1632 : index
    %swap3A_875 = arith.constant 0 : index
    %swap3A_876 = vector.load %arg14[%swap3A_874, %swap3A_875] : memref<1792x384xbf16, #tpu.memory_space<vmem>>, vector<32x384xbf16>
    tpu.vector_store %arg14[%swap3A_874, %swap3A_875], %reshape3A_870 {strides = array<i32>} : memref<1792x384xbf16, #tpu.memory_space<vmem>>, vector<32x384xbf16>,
    %get3A_877 = arith.constant 4 : index
    %get3A_878 = arith.constant 212 : index
    %get3A_879 = arith.constant 0 : index
    %get3A_880 = vector.load %arg1[%get3A_877, %get3A_878, %get3A_879] : memref<8x232x384xbf16, #tpu.memory_space<vmem>>, vector<4x8x384xbf16>
    %reshape3A_881 = vector.shape_cast %get3A_880 : vector<4x8x384xbf16> to vector<32x384xbf16>
    %get3A_882 = arith.constant 0 : index
    %get3A_883 = arith.constant 212 : index
    %get3A_884 = arith.constant 0 : index
    %get3A_885 = vector.load %arg2[%get3A_882, %get3A_883, %get3A_884] : memref<8x232x384xbf16, #tpu.memory_space<vmem>>, vector<4x8x384xbf16>
    %reshape3A_886 = vector.shape_cast %get3A_885 : vector<4x8x384xbf16> to vector<32x384xbf16>
    %swap3A_887 = arith.constant 1664 : index
    %swap3A_888 = arith.constant 0 : index
    %swap3A_889 = vector.load %arg14[%swap3A_887, %swap3A_888] : memref<1792x384xbf16, #tpu.memory_space<vmem>>, vector<32x384xbf16>
    tpu.vector_store %arg14[%swap3A_887, %swap3A_888], %reshape3A_881 {strides = array<i32>} : memref<1792x384xbf16, #tpu.memory_space<vmem>>, vector<32x384xbf16>,
    %swap3A_890 = arith.constant 1696 : index
    %swap3A_891 = arith.constant 0 : index
    %swap3A_892 = vector.load %arg14[%swap3A_890, %swap3A_891] : memref<1792x384xbf16, #tpu.memory_space<vmem>>, vector<32x384xbf16>
    tpu.vector_store %arg14[%swap3A_890, %swap3A_891], %reshape3A_886 {strides = array<i32>} : memref<1792x384xbf16, #tpu.memory_space<vmem>>, vector<32x384xbf16>,
    %get3A_893 = arith.constant 4 : index
    %get3A_894 = arith.constant 220 : index
    %get3A_895 = arith.constant 0 : index
    %get3A_896 = vector.load %arg1[%get3A_893, %get3A_894, %get3A_895] : memref<8x232x384xbf16, #tpu.memory_space<vmem>>, vector<4x8x384xbf16>
    %reshape3A_897 = vector.shape_cast %get3A_896 : vector<4x8x384xbf16> to vector<32x384xbf16>
    %get3A_898 = arith.constant 0 : index
    %get3A_899 = arith.constant 220 : index
    %get3A_900 = arith.constant 0 : index
    %get3A_901 = vector.load %arg2[%get3A_898, %get3A_899, %get3A_900] : memref<8x232x384xbf16, #tpu.memory_space<vmem>>, vector<4x8x384xbf16>
    %reshape3A_902 = vector.shape_cast %get3A_901 : vector<4x8x384xbf16> to vector<32x384xbf16>
    %swap3A_903 = arith.constant 1728 : index
    %swap3A_904 = arith.constant 0 : index
    %swap3A_905 = vector.load %arg14[%swap3A_903, %swap3A_904] : memref<1792x384xbf16, #tpu.memory_space<vmem>>, vector<32x384xbf16>
    tpu.vector_store %arg14[%swap3A_903, %swap3A_904], %reshape3A_897 {strides = array<i32>} : memref<1792x384xbf16, #tpu.memory_space<vmem>>, vector<32x384xbf16>,
    %swap3A_906 = arith.constant 1760 : index
    %swap3A_907 = arith.constant 0 : index
    %swap3A_908 = vector.load %arg14[%swap3A_906, %swap3A_907] : memref<1792x384xbf16, #tpu.memory_space<vmem>>, vector<32x384xbf16>
    tpu.vector_store %arg14[%swap3A_906, %swap3A_907], %reshape3A_902 {strides = array<i32>} : memref<1792x384xbf16, #tpu.memory_space<vmem>>, vector<32x384xbf16>,
    %get3A_909 = arith.constant 0 : index
    %get3A_910 = arith.constant 0 : index
    %get3A_911 = vector.load %arg5[%get3A_909, %get3A_910] : memref<384x384xbf16, #tpu.memory_space<vmem>>, vector<384x384xbf16>
    %get3A_912 = arith.constant 0 : index
    %get3A_913 = arith.constant 0 : index
    %get3A_914 = vector.load %arg13[%get3A_912, %get3A_913] : memref<3712x384xbf16, #tpu.memory_space<vmem>>, vector<3712x384xbf16>
    %dot_general3A = arith.constant dense<0.000000e+00> : vector<384x3712xf32>
    %dot_general3A_915 = tpu.matmul %get3A_911, %get3A_914, %dot_general3A {dimension_numbers = #tpu.dot_dimension_numbers<[1], [1], [0], [0], [0, 0, 1, 0], [], []>, transpose_lhs_hint = false} : vector<384x384xbf16>, vector<3712x384xbf16>, vector<384x3712xf32> -> vector<384x3712xf32>
    %get3A_916 = arith.constant 0 : index
    %get3A_917 = arith.constant 0 : index
    %get3A_918 = vector.load %arg9[%get3A_916, %get3A_917] : memref<384x1xf32, #tpu.memory_space<vmem>>, vector<384x1xf32>
    %add3A = vector.broadcast %get3A_918 : vector<384x1xf32> to vector<384x3712xf32>
    %add3A_919 = arith.addf %dot_general3A_915, %add3A : vector<384x3712xf32>
    %convert_element_type3A = arith.truncf %add3A_919 : vector<384x3712xf32> to vector<384x3712xbf16>
    %swap3A_920 = arith.constant 0 : index
    %swap3A_921 = arith.constant 0 : index
    %swap3A_922 = vector.load %arg15[%swap3A_920, %swap3A_921] : memref<384x3712xbf16, #tpu.memory_space<vmem>>, vector<384x3712xbf16>
    tpu.vector_store %arg15[%swap3A_920, %swap3A_921], %convert_element_type3A {strides = array<i32>} : memref<384x3712xbf16, #tpu.memory_space<vmem>>, vector<384x3712xbf16>,
    %get3A_923 = arith.constant 0 : index
    %get3A_924 = arith.constant 0 : index
    %get3A_925 = vector.load %arg6[%get3A_923, %get3A_924] : memref<480x384xbf16, #tpu.memory_space<vmem>>, vector<480x384xbf16>
    %get3A_926 = arith.constant 0 : index
    %get3A_927 = arith.constant 0 : index
    %get3A_928 = vector.load %arg13[%get3A_926, %get3A_927] : memref<3712x384xbf16, #tpu.memory_space<vmem>>, vector<3712x384xbf16>
    %dot_general3A_929 = arith.constant dense<0.000000e+00> : vector<480x3712xf32>
    %dot_general3A_930 = tpu.matmul %get3A_925, %get3A_928, %dot_general3A_929 {dimension_numbers = #tpu.dot_dimension_numbers<[1], [1], [0], [0], [0, 0, 1, 0], [], []>, transpose_lhs_hint = false} : vector<480x384xbf16>, vector<3712x384xbf16>, vector<480x3712xf32> -> vector<480x3712xf32>
    %get3A_931 = arith.constant 0 : index
    %get3A_932 = arith.constant 0 : index
    %get3A_933 = vector.load %arg10[%get3A_931, %get3A_932] : memref<480x1xf32, #tpu.memory_space<vmem>>, vector<480x1xf32>
    %add3A_934 = vector.broadcast %get3A_933 : vector<480x1xf32> to vector<480x3712xf32>
    %add3A_935 = arith.addf %dot_general3A_930, %add3A_934 : vector<480x3712xf32>
    %convert_element_type3A_936 = arith.truncf %add3A_935 : vector<480x3712xf32> to vector<480x3712xbf16>
    %swap3A_937 = arith.constant 0 : index
    %swap3A_938 = arith.constant 0 : index
    %swap3A_939 = vector.load %arg16[%swap3A_937, %swap3A_938] : memref<480x3712xbf16, #tpu.memory_space<vmem>>, vector<480x3712xbf16>
    tpu.vector_store %arg16[%swap3A_937, %swap3A_938], %convert_element_type3A_936 {strides = array<i32>} : memref<480x3712xbf16, #tpu.memory_space<vmem>>, vector<480x3712xbf16>,
    %get3A_940 = arith.constant 0 : index
    %get3A_941 = arith.constant 0 : index
    %get3A_942 = vector.load %arg4[%get3A_940, %get3A_941] : memref<384x384xbf16, #tpu.memory_space<vmem>>, vector<384x384xbf16>
    %get3A_943 = arith.constant 0 : index
    %get3A_944 = arith.constant 0 : index
    %get3A_945 = vector.load %arg14[%get3A_943, %get3A_944] : memref<1792x384xbf16, #tpu.memory_space<vmem>>, vector<1792x384xbf16>
    %dot_general3A_946 = arith.constant dense<0.000000e+00> : vector<384x1792xf32>
    %dot_general3A_947 = tpu.matmul %get3A_942, %get3A_945, %dot_general3A_946 {dimension_numbers = #tpu.dot_dimension_numbers<[1], [1], [0], [0], [0, 0, 1, 0], [], []>, transpose_lhs_hint = false} : vector<384x384xbf16>, vector<1792x384xbf16>, vector<384x1792xf32> -> vector<384x1792xf32>
    %get3A_948 = arith.constant 0 : index
    %get3A_949 = arith.constant 0 : index
    %get3A_950 = vector.load %arg8[%get3A_948, %get3A_949] : memref<384x1xf32, #tpu.memory_space<vmem>>, vector<384x1xf32>
    %add3A_951 = vector.broadcast %get3A_950 : vector<384x1xf32> to vector<384x1792xf32>
    %add3A_952 = arith.addf %dot_general3A_947, %add3A_951 : vector<384x1792xf32>
    %convert_element_type3A_953 = arith.truncf %add3A_952 : vector<384x1792xf32> to vector<384x1792xbf16>
    %swap3A_954 = arith.constant 0 : index
    %swap3A_955 = arith.constant 0 : index
    %swap3A_956 = vector.load %arg17[%swap3A_954, %swap3A_955] : memref<384x1792xbf16, #tpu.memory_space<vmem>>, vector<384x1792xbf16>
    tpu.vector_store %arg17[%swap3A_954, %swap3A_955], %convert_element_type3A_953 {strides = array<i32>} : memref<384x1792xbf16, #tpu.memory_space<vmem>>, vector<384x1792xbf16>,
    %get3A_957 = arith.constant 0 : index
    %get3A_958 = arith.constant 0 : index
    %get3A_959 = vector.load %arg3[%get3A_957, %get3A_958] : memref<64x256xf32, #tpu.memory_space<vmem>>, vector<64x256xf32>
    %get3A_960 = arith.constant 0 : index
    %get3A_961 = arith.constant 0 : index
    %get3A_962 = vector.load %arg17[%get3A_960, %get3A_961] : memref<384x1792xbf16, #tpu.memory_space<vmem>>, vector<384x64xbf16>
    %reshape3A_963 = vector.shape_cast %get3A_962 : vector<384x64xbf16> to vector<12x32x64xbf16>
    %get3A_964 = arith.constant 0 : index
    %get3A_965 = arith.constant 0 : index
    %get3A_966 = vector.load %arg15[%get3A_964, %get3A_965] : memref<384x3712xbf16, #tpu.memory_space<vmem>>, vector<384x256xbf16>
    %reshape3A_967 = vector.shape_cast %get3A_966 : vector<384x256xbf16> to vector<12x32x256xbf16>
    %get3A_968 = arith.constant 0 : index
    %get3A_969 = arith.constant 0 : index
    %get3A_970 = vector.load %arg16[%get3A_968, %get3A_969] : memref<480x3712xbf16, #tpu.memory_space<vmem>>, vector<480x256xbf16>
    %reshape3A_971 = vector.shape_cast %get3A_970 : vector<480x256xbf16> to vector<12x40x256xbf16>
    %dot_general3A_972 = arith.constant dense<0.000000e+00> : vector<12x64x256xf32>
    %dot_general3A_973 = tpu.matmul %reshape3A_963, %reshape3A_967, %dot_general3A_972 {dimension_numbers = #tpu.dot_dimension_numbers<[1], [1], [2], [2], [0, 0, 0, 2, 1, 2], [0], [0]>, transpose_lhs_hint = false} : vector<12x32x64xbf16>, vector<12x32x256xbf16>, vector<12x64x256xf32> -> vector<12x64x256xf32>
    %broadcast_in_dim3A = vector.shape_cast %get3A_959 : vector<64x256xf32> to vector<1x64x256xf32>
    %add3A_974 = vector.broadcast %broadcast_in_dim3A : vector<1x64x256xf32> to vector<12x64x256xf32>
    %add3A_975 = arith.addf %dot_general3A_973, %add3A_974 : vector<12x64x256xf32>
    %exp3A = math.exp %add3A_975 : vector<12x64x256xf32>
    %convert_element_type3A_976 = arith.truncf %exp3A : vector<12x64x256xf32> to vector<12x64x256xbf16>
    %dot_general3A_977 = arith.constant dense<0.000000e+00> : vector<12x40x64xf32>
    %dot_general3A_978 = tpu.matmul %reshape3A_971, %convert_element_type3A_976, %dot_general3A_977 {dimension_numbers = #tpu.dot_dimension_numbers<[2], [2], [1], [1], [0, 0, 0, 1, 1, 1], [0], [0]>, transpose_lhs_hint = false} : vector<12x40x256xbf16>, vector<12x64x256xbf16>, vector<12x40x64xf32> -> vector<12x40x64xf32>
    %slice3A = vector.extract_strided_slice %dot_general3A_978 {offsets = [0, 0, 0], sizes = [12, 32, 64], strides = [1, 1, 1]} : vector<12x40x64xf32> to vector<12x32x64xf32>
    %slice3A_979 = vector.extract_strided_slice %dot_general3A_978 {offsets = [0, 32, 0], sizes = [12, 1, 64], strides = [1, 1, 1]} : vector<12x40x64xf32> to vector<12x1x64xf32>
    %div3A = vector.broadcast %slice3A_979 : vector<12x1x64xf32> to vector<12x32x64xf32>
    %div3A_980 = arith.divf %slice3A, %div3A : vector<12x32x64xf32>
    %reshape3A_981 = vector.shape_cast %div3A_980 : vector<12x32x64xf32> to vector<384x64xf32>
    %convert_element_type3A_982 = arith.truncf %reshape3A_981 : vector<384x64xf32> to vector<384x64xbf16>
    %swap3A_983 = arith.constant 0 : index
    %swap3A_984 = arith.constant 0 : index
    %swap3A_985 = vector.load %arg18[%swap3A_983, %swap3A_984] : memref<384x1792xbf16, #tpu.memory_space<vmem>>, vector<384x64xbf16>
    tpu.vector_store %arg18[%swap3A_983, %swap3A_984], %convert_element_type3A_982 {strides = array<i32>} : memref<384x1792xbf16, #tpu.memory_space<vmem>>, vector<384x64xbf16>,
    %get3A_986 = arith.constant 0 : index
    %get3A_987 = arith.constant 64 : index
    %get3A_988 = vector.load %arg17[%get3A_986, %get3A_987] : memref<384x1792xbf16, #tpu.memory_space<vmem>>, vector<384x64xbf16>
    %reshape3A_989 = vector.shape_cast %get3A_988 : vector<384x64xbf16> to vector<12x32x64xbf16>
    %get3A_990 = arith.constant 0 : index
    %get3A_991 = arith.constant 128 : index
    %get3A_992 = vector.load %arg15[%get3A_990, %get3A_991] : memref<384x3712xbf16, #tpu.memory_space<vmem>>, vector<384x256xbf16>
    %reshape3A_993 = vector.shape_cast %get3A_992 : vector<384x256xbf16> to vector<12x32x256xbf16>
    %get3A_994 = arith.constant 0 : index
    %get3A_995 = arith.constant 128 : index
    %get3A_996 = vector.load %arg16[%get3A_994, %get3A_995] : memref<480x3712xbf16, #tpu.memory_space<vmem>>, vector<480x256xbf16>
    %reshape3A_997 = vector.shape_cast %get3A_996 : vector<480x256xbf16> to vector<12x40x256xbf16>
    %dot_general3A_998 = arith.constant dense<0.000000e+00> : vector<12x64x256xf32>
    %dot_general3A_999 = tpu.matmul %reshape3A_989, %reshape3A_993, %dot_general3A_998 {dimension_numbers = #tpu.dot_dimension_numbers<[1], [1], [2], [2], [0, 0, 0, 2, 1, 2], [0], [0]>, transpose_lhs_hint = false} : vector<12x32x64xbf16>, vector<12x32x256xbf16>, vector<12x64x256xf32> -> vector<12x64x256xf32>
    %broadcast_in_dim3A_1000 = vector.shape_cast %get3A_959 : vector<64x256xf32> to vector<1x64x256xf32>
    %add3A_1001 = vector.broadcast %broadcast_in_dim3A_1000 : vector<1x64x256xf32> to vector<12x64x256xf32>
    %add3A_1002 = arith.addf %dot_general3A_999, %add3A_1001 : vector<12x64x256xf32>
    %exp3A_1003 = math.exp %add3A_1002 : vector<12x64x256xf32>
    %convert_element_type3A_1004 = arith.truncf %exp3A_1003 : vector<12x64x256xf32> to vector<12x64x256xbf16>
    %dot_general3A_1005 = arith.constant dense<0.000000e+00> : vector<12x40x64xf32>
    %dot_general3A_1006 = tpu.matmul %reshape3A_997, %convert_element_type3A_1004, %dot_general3A_1005 {dimension_numbers = #tpu.dot_dimension_numbers<[2], [2], [1], [1], [0, 0, 0, 1, 1, 1], [0], [0]>, transpose_lhs_hint = false} : vector<12x40x256xbf16>, vector<12x64x256xbf16>, vector<12x40x64xf32> -> vector<12x40x64xf32>
    %slice3A_1007 = vector.extract_strided_slice %dot_general3A_1006 {offsets = [0, 0, 0], sizes = [12, 32, 64], strides = [1, 1, 1]} : vector<12x40x64xf32> to vector<12x32x64xf32>
    %slice3A_1008 = vector.extract_strided_slice %dot_general3A_1006 {offsets = [0, 32, 0], sizes = [12, 1, 64], strides = [1, 1, 1]} : vector<12x40x64xf32> to vector<12x1x64xf32>
    %div3A_1009 = vector.broadcast %slice3A_1008 : vector<12x1x64xf32> to vector<12x32x64xf32>
    %div3A_1010 = arith.divf %slice3A_1007, %div3A_1009 : vector<12x32x64xf32>
    %reshape3A_1011 = vector.shape_cast %div3A_1010 : vector<12x32x64xf32> to vector<384x64xf32>
    %convert_element_type3A_1012 = arith.truncf %reshape3A_1011 : vector<384x64xf32> to vector<384x64xbf16>
    %swap3A_1013 = arith.constant 0 : index
    %swap3A_1014 = arith.constant 64 : index
    %swap3A_1015 = vector.load %arg18[%swap3A_1013, %swap3A_1014] : memref<384x1792xbf16, #tpu.memory_space<vmem>>, vector<384x64xbf16>
    tpu.vector_store %arg18[%swap3A_1013, %swap3A_1014], %convert_element_type3A_1012 {strides = array<i32>} : memref<384x1792xbf16, #tpu.memory_space<vmem>>, vector<384x64xbf16>,
    %get3A_1016 = arith.constant 0 : index
    %get3A_1017 = arith.constant 128 : index
    %get3A_1018 = vector.load %arg17[%get3A_1016, %get3A_1017] : memref<384x1792xbf16, #tpu.memory_space<vmem>>, vector<384x64xbf16>
    %reshape3A_1019 = vector.shape_cast %get3A_1018 : vector<384x64xbf16> to vector<12x32x64xbf16>
    %get3A_1020 = arith.constant 0 : index
    %get3A_1021 = arith.constant 256 : index
    %get3A_1022 = vector.load %arg15[%get3A_1020, %get3A_1021] : memref<384x3712xbf16, #tpu.memory_space<vmem>>, vector<384x256xbf16>
    %reshape3A_1023 = vector.shape_cast %get3A_1022 : vector<384x256xbf16> to vector<12x32x256xbf16>
    %get3A_1024 = arith.constant 0 : index
    %get3A_1025 = arith.constant 256 : index
    %get3A_1026 = vector.load %arg16[%get3A_1024, %get3A_1025] : memref<480x3712xbf16, #tpu.memory_space<vmem>>, vector<480x256xbf16>
    %reshape3A_1027 = vector.shape_cast %get3A_1026 : vector<480x256xbf16> to vector<12x40x256xbf16>
    %dot_general3A_1028 = arith.constant dense<0.000000e+00> : vector<12x64x256xf32>
    %dot_general3A_1029 = tpu.matmul %reshape3A_1019, %reshape3A_1023, %dot_general3A_1028 {dimension_numbers = #tpu.dot_dimension_numbers<[1], [1], [2], [2], [0, 0, 0, 2, 1, 2], [0], [0]>, transpose_lhs_hint = false} : vector<12x32x64xbf16>, vector<12x32x256xbf16>, vector<12x64x256xf32> -> vector<12x64x256xf32>
    %broadcast_in_dim3A_1030 = vector.shape_cast %get3A_959 : vector<64x256xf32> to vector<1x64x256xf32>
    %add3A_1031 = vector.broadcast %broadcast_in_dim3A_1030 : vector<1x64x256xf32> to vector<12x64x256xf32>
    %add3A_1032 = arith.addf %dot_general3A_1029, %add3A_1031 : vector<12x64x256xf32>
    %exp3A_1033 = math.exp %add3A_1032 : vector<12x64x256xf32>
    %convert_element_type3A_1034 = arith.truncf %exp3A_1033 : vector<12x64x256xf32> to vector<12x64x256xbf16>
    %dot_general3A_1035 = arith.constant dense<0.000000e+00> : vector<12x40x64xf32>
    %dot_general3A_1036 = tpu.matmul %reshape3A_1027, %convert_element_type3A_1034, %dot_general3A_1035 {dimension_numbers = #tpu.dot_dimension_numbers<[2], [2], [1], [1], [0, 0, 0, 1, 1, 1], [0], [0]>, transpose_lhs_hint = false} : vector<12x40x256xbf16>, vector<12x64x256xbf16>, vector<12x40x64xf32> -> vector<12x40x64xf32>
    %slice3A_1037 = vector.extract_strided_slice %dot_general3A_1036 {offsets = [0, 0, 0], sizes = [12, 32, 64], strides = [1, 1, 1]} : vector<12x40x64xf32> to vector<12x32x64xf32>
    %slice3A_1038 = vector.extract_strided_slice %dot_general3A_1036 {offsets = [0, 32, 0], sizes = [12, 1, 64], strides = [1, 1, 1]} : vector<12x40x64xf32> to vector<12x1x64xf32>
    %div3A_1039 = vector.broadcast %slice3A_1038 : vector<12x1x64xf32> to vector<12x32x64xf32>
    %div3A_1040 = arith.divf %slice3A_1037, %div3A_1039 : vector<12x32x64xf32>
    %reshape3A_1041 = vector.shape_cast %div3A_1040 : vector<12x32x64xf32> to vector<384x64xf32>
    %convert_element_type3A_1042 = arith.truncf %reshape3A_1041 : vector<384x64xf32> to vector<384x64xbf16>
    %swap3A_1043 = arith.constant 0 : index
    %swap3A_1044 = arith.constant 128 : index
    %swap3A_1045 = vector.load %arg18[%swap3A_1043, %swap3A_1044] : memref<384x1792xbf16, #tpu.memory_space<vmem>>, vector<384x64xbf16>
    tpu.vector_store %arg18[%swap3A_1043, %swap3A_1044], %convert_element_type3A_1042 {strides = array<i32>} : memref<384x1792xbf16, #tpu.memory_space<vmem>>, vector<384x64xbf16>,
    %get3A_1046 = arith.constant 0 : index
    %get3A_1047 = arith.constant 192 : index
    %get3A_1048 = vector.load %arg17[%get3A_1046, %get3A_1047] : memref<384x1792xbf16, #tpu.memory_space<vmem>>, vector<384x64xbf16>
    %reshape3A_1049 = vector.shape_cast %get3A_1048 : vector<384x64xbf16> to vector<12x32x64xbf16>
    %get3A_1050 = arith.constant 0 : index
    %get3A_1051 = arith.constant 384 : index
    %get3A_1052 = vector.load %arg15[%get3A_1050, %get3A_1051] : memref<384x3712xbf16, #tpu.memory_space<vmem>>, vector<384x256xbf16>
    %reshape3A_1053 = vector.shape_cast %get3A_1052 : vector<384x256xbf16> to vector<12x32x256xbf16>
    %get3A_1054 = arith.constant 0 : index
    %get3A_1055 = arith.constant 384 : index
    %get3A_1056 = vector.load %arg16[%get3A_1054, %get3A_1055] : memref<480x3712xbf16, #tpu.memory_space<vmem>>, vector<480x256xbf16>
    %reshape3A_1057 = vector.shape_cast %get3A_1056 : vector<480x256xbf16> to vector<12x40x256xbf16>
    %dot_general3A_1058 = arith.constant dense<0.000000e+00> : vector<12x64x256xf32>
    %dot_general3A_1059 = tpu.matmul %reshape3A_1049, %reshape3A_1053, %dot_general3A_1058 {dimension_numbers = #tpu.dot_dimension_numbers<[1], [1], [2], [2], [0, 0, 0, 2, 1, 2], [0], [0]>, transpose_lhs_hint = false} : vector<12x32x64xbf16>, vector<12x32x256xbf16>, vector<12x64x256xf32> -> vector<12x64x256xf32>
    %broadcast_in_dim3A_1060 = vector.shape_cast %get3A_959 : vector<64x256xf32> to vector<1x64x256xf32>
    %add3A_1061 = vector.broadcast %broadcast_in_dim3A_1060 : vector<1x64x256xf32> to vector<12x64x256xf32>
    %add3A_1062 = arith.addf %dot_general3A_1059, %add3A_1061 : vector<12x64x256xf32>
    %exp3A_1063 = math.exp %add3A_1062 : vector<12x64x256xf32>
    %convert_element_type3A_1064 = arith.truncf %exp3A_1063 : vector<12x64x256xf32> to vector<12x64x256xbf16>
    %dot_general3A_1065 = arith.constant dense<0.000000e+00> : vector<12x40x64xf32>
    %dot_general3A_1066 = tpu.matmul %reshape3A_1057, %convert_element_type3A_1064, %dot_general3A_1065 {dimension_numbers = #tpu.dot_dimension_numbers<[2], [2], [1], [1], [0, 0, 0, 1, 1, 1], [0], [0]>, transpose_lhs_hint = false} : vector<12x40x256xbf16>, vector<12x64x256xbf16>, vector<12x40x64xf32> -> vector<12x40x64xf32>
    %slice3A_1067 = vector.extract_strided_slice %dot_general3A_1066 {offsets = [0, 0, 0], sizes = [12, 32, 64], strides = [1, 1, 1]} : vector<12x40x64xf32> to vector<12x32x64xf32>
    %slice3A_1068 = vector.extract_strided_slice %dot_general3A_1066 {offsets = [0, 32, 0], sizes = [12, 1, 64], strides = [1, 1, 1]} : vector<12x40x64xf32> to vector<12x1x64xf32>
    %div3A_1069 = vector.broadcast %slice3A_1068 : vector<12x1x64xf32> to vector<12x32x64xf32>
    %div3A_1070 = arith.divf %slice3A_1067, %div3A_1069 : vector<12x32x64xf32>
    %reshape3A_1071 = vector.shape_cast %div3A_1070 : vector<12x32x64xf32> to vector<384x64xf32>
    %convert_element_type3A_1072 = arith.truncf %reshape3A_1071 : vector<384x64xf32> to vector<384x64xbf16>
    %swap3A_1073 = arith.constant 0 : index
    %swap3A_1074 = arith.constant 192 : index
    %swap3A_1075 = vector.load %arg18[%swap3A_1073, %swap3A_1074] : memref<384x1792xbf16, #tpu.memory_space<vmem>>, vector<384x64xbf16>
    tpu.vector_store %arg18[%swap3A_1073, %swap3A_1074], %convert_element_type3A_1072 {strides = array<i32>} : memref<384x1792xbf16, #tpu.memory_space<vmem>>, vector<384x64xbf16>,
    %get3A_1076 = arith.constant 0 : index
    %get3A_1077 = arith.constant 256 : index
    %get3A_1078 = vector.load %arg17[%get3A_1076, %get3A_1077] : memref<384x1792xbf16, #tpu.memory_space<vmem>>, vector<384x64xbf16>
    %reshape3A_1079 = vector.shape_cast %get3A_1078 : vector<384x64xbf16> to vector<12x32x64xbf16>
    %get3A_1080 = arith.constant 0 : index
    %get3A_1081 = arith.constant 512 : index
    %get3A_1082 = vector.load %arg15[%get3A_1080, %get3A_1081] : memref<384x3712xbf16, #tpu.memory_space<vmem>>, vector<384x256xbf16>
    %reshape3A_1083 = vector.shape_cast %get3A_1082 : vector<384x256xbf16> to vector<12x32x256xbf16>
    %get3A_1084 = arith.constant 0 : index
    %get3A_1085 = arith.constant 512 : index
    %get3A_1086 = vector.load %arg16[%get3A_1084, %get3A_1085] : memref<480x3712xbf16, #tpu.memory_space<vmem>>, vector<480x256xbf16>
    %reshape3A_1087 = vector.shape_cast %get3A_1086 : vector<480x256xbf16> to vector<12x40x256xbf16>
    %dot_general3A_1088 = arith.constant dense<0.000000e+00> : vector<12x64x256xf32>
    %dot_general3A_1089 = tpu.matmul %reshape3A_1079, %reshape3A_1083, %dot_general3A_1088 {dimension_numbers = #tpu.dot_dimension_numbers<[1], [1], [2], [2], [0, 0, 0, 2, 1, 2], [0], [0]>, transpose_lhs_hint = false} : vector<12x32x64xbf16>, vector<12x32x256xbf16>, vector<12x64x256xf32> -> vector<12x64x256xf32>
    %broadcast_in_dim3A_1090 = vector.shape_cast %get3A_959 : vector<64x256xf32> to vector<1x64x256xf32>
    %add3A_1091 = vector.broadcast %broadcast_in_dim3A_1090 : vector<1x64x256xf32> to vector<12x64x256xf32>
    %add3A_1092 = arith.addf %dot_general3A_1089, %add3A_1091 : vector<12x64x256xf32>
    %exp3A_1093 = math.exp %add3A_1092 : vector<12x64x256xf32>
    %convert_element_type3A_1094 = arith.truncf %exp3A_1093 : vector<12x64x256xf32> to vector<12x64x256xbf16>
    %dot_general3A_1095 = arith.constant dense<0.000000e+00> : vector<12x40x64xf32>
    %dot_general3A_1096 = tpu.matmul %reshape3A_1087, %convert_element_type3A_1094, %dot_general3A_1095 {dimension_numbers = #tpu.dot_dimension_numbers<[2], [2], [1], [1], [0, 0, 0, 1, 1, 1], [0], [0]>, transpose_lhs_hint = false} : vector<12x40x256xbf16>, vector<12x64x256xbf16>, vector<12x40x64xf32> -> vector<12x40x64xf32>
    %slice3A_1097 = vector.extract_strided_slice %dot_general3A_1096 {offsets = [0, 0, 0], sizes = [12, 32, 64], strides = [1, 1, 1]} : vector<12x40x64xf32> to vector<12x32x64xf32>
    %slice3A_1098 = vector.extract_strided_slice %dot_general3A_1096 {offsets = [0, 32, 0], sizes = [12, 1, 64], strides = [1, 1, 1]} : vector<12x40x64xf32> to vector<12x1x64xf32>
    %div3A_1099 = vector.broadcast %slice3A_1098 : vector<12x1x64xf32> to vector<12x32x64xf32>
    %div3A_1100 = arith.divf %slice3A_1097, %div3A_1099 : vector<12x32x64xf32>
    %reshape3A_1101 = vector.shape_cast %div3A_1100 : vector<12x32x64xf32> to vector<384x64xf32>
    %convert_element_type3A_1102 = arith.truncf %reshape3A_1101 : vector<384x64xf32> to vector<384x64xbf16>
    %swap3A_1103 = arith.constant 0 : index
    %swap3A_1104 = arith.constant 256 : index
    %swap3A_1105 = vector.load %arg18[%swap3A_1103, %swap3A_1104] : memref<384x1792xbf16, #tpu.memory_space<vmem>>, vector<384x64xbf16>
    tpu.vector_store %arg18[%swap3A_1103, %swap3A_1104], %convert_element_type3A_1102 {strides = array<i32>} : memref<384x1792xbf16, #tpu.memory_space<vmem>>, vector<384x64xbf16>,
    %get3A_1106 = arith.constant 0 : index
    %get3A_1107 = arith.constant 320 : index
    %get3A_1108 = vector.load %arg17[%get3A_1106, %get3A_1107] : memref<384x1792xbf16, #tpu.memory_space<vmem>>, vector<384x64xbf16>
    %reshape3A_1109 = vector.shape_cast %get3A_1108 : vector<384x64xbf16> to vector<12x32x64xbf16>
    %get3A_1110 = arith.constant 0 : index
    %get3A_1111 = arith.constant 640 : index
    %get3A_1112 = vector.load %arg15[%get3A_1110, %get3A_1111] : memref<384x3712xbf16, #tpu.memory_space<vmem>>, vector<384x256xbf16>
    %reshape3A_1113 = vector.shape_cast %get3A_1112 : vector<384x256xbf16> to vector<12x32x256xbf16>
    %get3A_1114 = arith.constant 0 : index
    %get3A_1115 = arith.constant 640 : index
    %get3A_1116 = vector.load %arg16[%get3A_1114, %get3A_1115] : memref<480x3712xbf16, #tpu.memory_space<vmem>>, vector<480x256xbf16>
    %reshape3A_1117 = vector.shape_cast %get3A_1116 : vector<480x256xbf16> to vector<12x40x256xbf16>
    %dot_general3A_1118 = arith.constant dense<0.000000e+00> : vector<12x64x256xf32>
    %dot_general3A_1119 = tpu.matmul %reshape3A_1109, %reshape3A_1113, %dot_general3A_1118 {dimension_numbers = #tpu.dot_dimension_numbers<[1], [1], [2], [2], [0, 0, 0, 2, 1, 2], [0], [0]>, transpose_lhs_hint = false} : vector<12x32x64xbf16>, vector<12x32x256xbf16>, vector<12x64x256xf32> -> vector<12x64x256xf32>
    %broadcast_in_dim3A_1120 = vector.shape_cast %get3A_959 : vector<64x256xf32> to vector<1x64x256xf32>
    %add3A_1121 = vector.broadcast %broadcast_in_dim3A_1120 : vector<1x64x256xf32> to vector<12x64x256xf32>
    %add3A_1122 = arith.addf %dot_general3A_1119, %add3A_1121 : vector<12x64x256xf32>
    %exp3A_1123 = math.exp %add3A_1122 : vector<12x64x256xf32>
    %convert_element_type3A_1124 = arith.truncf %exp3A_1123 : vector<12x64x256xf32> to vector<12x64x256xbf16>
    %dot_general3A_1125 = arith.constant dense<0.000000e+00> : vector<12x40x64xf32>
    %dot_general3A_1126 = tpu.matmul %reshape3A_1117, %convert_element_type3A_1124, %dot_general3A_1125 {dimension_numbers = #tpu.dot_dimension_numbers<[2], [2], [1], [1], [0, 0, 0, 1, 1, 1], [0], [0]>, transpose_lhs_hint = false} : vector<12x40x256xbf16>, vector<12x64x256xbf16>, vector<12x40x64xf32> -> vector<12x40x64xf32>
    %slice3A_1127 = vector.extract_strided_slice %dot_general3A_1126 {offsets = [0, 0, 0], sizes = [12, 32, 64], strides = [1, 1, 1]} : vector<12x40x64xf32> to vector<12x32x64xf32>
    %slice3A_1128 = vector.extract_strided_slice %dot_general3A_1126 {offsets = [0, 32, 0], sizes = [12, 1, 64], strides = [1, 1, 1]} : vector<12x40x64xf32> to vector<12x1x64xf32>
    %div3A_1129 = vector.broadcast %slice3A_1128 : vector<12x1x64xf32> to vector<12x32x64xf32>
    %div3A_1130 = arith.divf %slice3A_1127, %div3A_1129 : vector<12x32x64xf32>
    %reshape3A_1131 = vector.shape_cast %div3A_1130 : vector<12x32x64xf32> to vector<384x64xf32>
    %convert_element_type3A_1132 = arith.truncf %reshape3A_1131 : vector<384x64xf32> to vector<384x64xbf16>
    %swap3A_1133 = arith.constant 0 : index
    %swap3A_1134 = arith.constant 320 : index
    %swap3A_1135 = vector.load %arg18[%swap3A_1133, %swap3A_1134] : memref<384x1792xbf16, #tpu.memory_space<vmem>>, vector<384x64xbf16>
    tpu.vector_store %arg18[%swap3A_1133, %swap3A_1134], %convert_element_type3A_1132 {strides = array<i32>} : memref<384x1792xbf16, #tpu.memory_space<vmem>>, vector<384x64xbf16>,
    %get3A_1136 = arith.constant 0 : index
    %get3A_1137 = arith.constant 384 : index
    %get3A_1138 = vector.load %arg17[%get3A_1136, %get3A_1137] : memref<384x1792xbf16, #tpu.memory_space<vmem>>, vector<384x64xbf16>
    %reshape3A_1139 = vector.shape_cast %get3A_1138 : vector<384x64xbf16> to vector<12x32x64xbf16>
    %get3A_1140 = arith.constant 0 : index
    %get3A_1141 = arith.constant 768 : index
    %get3A_1142 = vector.load %arg15[%get3A_1140, %get3A_1141] : memref<384x3712xbf16, #tpu.memory_space<vmem>>, vector<384x256xbf16>
    %reshape3A_1143 = vector.shape_cast %get3A_1142 : vector<384x256xbf16> to vector<12x32x256xbf16>
    %get3A_1144 = arith.constant 0 : index
    %get3A_1145 = arith.constant 768 : index
    %get3A_1146 = vector.load %arg16[%get3A_1144, %get3A_1145] : memref<480x3712xbf16, #tpu.memory_space<vmem>>, vector<480x256xbf16>
    %reshape3A_1147 = vector.shape_cast %get3A_1146 : vector<480x256xbf16> to vector<12x40x256xbf16>
    %dot_general3A_1148 = arith.constant dense<0.000000e+00> : vector<12x64x256xf32>
    %dot_general3A_1149 = tpu.matmul %reshape3A_1139, %reshape3A_1143, %dot_general3A_1148 {dimension_numbers = #tpu.dot_dimension_numbers<[1], [1], [2], [2], [0, 0, 0, 2, 1, 2], [0], [0]>, transpose_lhs_hint = false} : vector<12x32x64xbf16>, vector<12x32x256xbf16>, vector<12x64x256xf32> -> vector<12x64x256xf32>
    %broadcast_in_dim3A_1150 = vector.shape_cast %get3A_959 : vector<64x256xf32> to vector<1x64x256xf32>
    %add3A_1151 = vector.broadcast %broadcast_in_dim3A_1150 : vector<1x64x256xf32> to vector<12x64x256xf32>
    %add3A_1152 = arith.addf %dot_general3A_1149, %add3A_1151 : vector<12x64x256xf32>
    %exp3A_1153 = math.exp %add3A_1152 : vector<12x64x256xf32>
    %convert_element_type3A_1154 = arith.truncf %exp3A_1153 : vector<12x64x256xf32> to vector<12x64x256xbf16>
    %dot_general3A_1155 = arith.constant dense<0.000000e+00> : vector<12x40x64xf32>
    %dot_general3A_1156 = tpu.matmul %reshape3A_1147, %convert_element_type3A_1154, %dot_general3A_1155 {dimension_numbers = #tpu.dot_dimension_numbers<[2], [2], [1], [1], [0, 0, 0, 1, 1, 1], [0], [0]>, transpose_lhs_hint = false} : vector<12x40x256xbf16>, vector<12x64x256xbf16>, vector<12x40x64xf32> -> vector<12x40x64xf32>
    %slice3A_1157 = vector.extract_strided_slice %dot_general3A_1156 {offsets = [0, 0, 0], sizes = [12, 32, 64], strides = [1, 1, 1]} : vector<12x40x64xf32> to vector<12x32x64xf32>
    %slice3A_1158 = vector.extract_strided_slice %dot_general3A_1156 {offsets = [0, 32, 0], sizes = [12, 1, 64], strides = [1, 1, 1]} : vector<12x40x64xf32> to vector<12x1x64xf32>
    %div3A_1159 = vector.broadcast %slice3A_1158 : vector<12x1x64xf32> to vector<12x32x64xf32>
    %div3A_1160 = arith.divf %slice3A_1157, %div3A_1159 : vector<12x32x64xf32>
    %reshape3A_1161 = vector.shape_cast %div3A_1160 : vector<12x32x64xf32> to vector<384x64xf32>
    %convert_element_type3A_1162 = arith.truncf %reshape3A_1161 : vector<384x64xf32> to vector<384x64xbf16>
    %swap3A_1163 = arith.constant 0 : index
    %swap3A_1164 = arith.constant 384 : index
    %swap3A_1165 = vector.load %arg18[%swap3A_1163, %swap3A_1164] : memref<384x1792xbf16, #tpu.memory_space<vmem>>, vector<384x64xbf16>
    tpu.vector_store %arg18[%swap3A_1163, %swap3A_1164], %convert_element_type3A_1162 {strides = array<i32>} : memref<384x1792xbf16, #tpu.memory_space<vmem>>, vector<384x64xbf16>,
    %get3A_1166 = arith.constant 0 : index
    %get3A_1167 = arith.constant 448 : index
    %get3A_1168 = vector.load %arg17[%get3A_1166, %get3A_1167] : memref<384x1792xbf16, #tpu.memory_space<vmem>>, vector<384x64xbf16>
    %reshape3A_1169 = vector.shape_cast %get3A_1168 : vector<384x64xbf16> to vector<12x32x64xbf16>
    %get3A_1170 = arith.constant 0 : index
    %get3A_1171 = arith.constant 896 : index
    %get3A_1172 = vector.load %arg15[%get3A_1170, %get3A_1171] : memref<384x3712xbf16, #tpu.memory_space<vmem>>, vector<384x256xbf16>
    %reshape3A_1173 = vector.shape_cast %get3A_1172 : vector<384x256xbf16> to vector<12x32x256xbf16>
    %get3A_1174 = arith.constant 0 : index
    %get3A_1175 = arith.constant 896 : index
    %get3A_1176 = vector.load %arg16[%get3A_1174, %get3A_1175] : memref<480x3712xbf16, #tpu.memory_space<vmem>>, vector<480x256xbf16>
    %reshape3A_1177 = vector.shape_cast %get3A_1176 : vector<480x256xbf16> to vector<12x40x256xbf16>
    %dot_general3A_1178 = arith.constant dense<0.000000e+00> : vector<12x64x256xf32>
    %dot_general3A_1179 = tpu.matmul %reshape3A_1169, %reshape3A_1173, %dot_general3A_1178 {dimension_numbers = #tpu.dot_dimension_numbers<[1], [1], [2], [2], [0, 0, 0, 2, 1, 2], [0], [0]>, transpose_lhs_hint = false} : vector<12x32x64xbf16>, vector<12x32x256xbf16>, vector<12x64x256xf32> -> vector<12x64x256xf32>
    %broadcast_in_dim3A_1180 = vector.shape_cast %get3A_959 : vector<64x256xf32> to vector<1x64x256xf32>
    %add3A_1181 = vector.broadcast %broadcast_in_dim3A_1180 : vector<1x64x256xf32> to vector<12x64x256xf32>
    %add3A_1182 = arith.addf %dot_general3A_1179, %add3A_1181 : vector<12x64x256xf32>
    %exp3A_1183 = math.exp %add3A_1182 : vector<12x64x256xf32>
    %convert_element_type3A_1184 = arith.truncf %exp3A_1183 : vector<12x64x256xf32> to vector<12x64x256xbf16>
    %dot_general3A_1185 = arith.constant dense<0.000000e+00> : vector<12x40x64xf32>
    %dot_general3A_1186 = tpu.matmul %reshape3A_1177, %convert_element_type3A_1184, %dot_general3A_1185 {dimension_numbers = #tpu.dot_dimension_numbers<[2], [2], [1], [1], [0, 0, 0, 1, 1, 1], [0], [0]>, transpose_lhs_hint = false} : vector<12x40x256xbf16>, vector<12x64x256xbf16>, vector<12x40x64xf32> -> vector<12x40x64xf32>
    %slice3A_1187 = vector.extract_strided_slice %dot_general3A_1186 {offsets = [0, 0, 0], sizes = [12, 32, 64], strides = [1, 1, 1]} : vector<12x40x64xf32> to vector<12x32x64xf32>
    %slice3A_1188 = vector.extract_strided_slice %dot_general3A_1186 {offsets = [0, 32, 0], sizes = [12, 1, 64], strides = [1, 1, 1]} : vector<12x40x64xf32> to vector<12x1x64xf32>
    %div3A_1189 = vector.broadcast %slice3A_1188 : vector<12x1x64xf32> to vector<12x32x64xf32>
    %div3A_1190 = arith.divf %slice3A_1187, %div3A_1189 : vector<12x32x64xf32>
    %reshape3A_1191 = vector.shape_cast %div3A_1190 : vector<12x32x64xf32> to vector<384x64xf32>
    %convert_element_type3A_1192 = arith.truncf %reshape3A_1191 : vector<384x64xf32> to vector<384x64xbf16>
    %swap3A_1193 = arith.constant 0 : index
    %swap3A_1194 = arith.constant 448 : index
    %swap3A_1195 = vector.load %arg18[%swap3A_1193, %swap3A_1194] : memref<384x1792xbf16, #tpu.memory_space<vmem>>, vector<384x64xbf16>
    tpu.vector_store %arg18[%swap3A_1193, %swap3A_1194], %convert_element_type3A_1192 {strides = array<i32>} : memref<384x1792xbf16, #tpu.memory_space<vmem>>, vector<384x64xbf16>,
    %get3A_1196 = arith.constant 0 : index
    %get3A_1197 = arith.constant 512 : index
    %get3A_1198 = vector.load %arg17[%get3A_1196, %get3A_1197] : memref<384x1792xbf16, #tpu.memory_space<vmem>>, vector<384x64xbf16>
    %reshape3A_1199 = vector.shape_cast %get3A_1198 : vector<384x64xbf16> to vector<12x32x64xbf16>
    %get3A_1200 = arith.constant 0 : index
    %get3A_1201 = arith.constant 1024 : index
    %get3A_1202 = vector.load %arg15[%get3A_1200, %get3A_1201] : memref<384x3712xbf16, #tpu.memory_space<vmem>>, vector<384x256xbf16>
    %reshape3A_1203 = vector.shape_cast %get3A_1202 : vector<384x256xbf16> to vector<12x32x256xbf16>
    %get3A_1204 = arith.constant 0 : index
    %get3A_1205 = arith.constant 1024 : index
    %get3A_1206 = vector.load %arg16[%get3A_1204, %get3A_1205] : memref<480x3712xbf16, #tpu.memory_space<vmem>>, vector<480x256xbf16>
    %reshape3A_1207 = vector.shape_cast %get3A_1206 : vector<480x256xbf16> to vector<12x40x256xbf16>
    %dot_general3A_1208 = arith.constant dense<0.000000e+00> : vector<12x64x256xf32>
    %dot_general3A_1209 = tpu.matmul %reshape3A_1199, %reshape3A_1203, %dot_general3A_1208 {dimension_numbers = #tpu.dot_dimension_numbers<[1], [1], [2], [2], [0, 0, 0, 2, 1, 2], [0], [0]>, transpose_lhs_hint = false} : vector<12x32x64xbf16>, vector<12x32x256xbf16>, vector<12x64x256xf32> -> vector<12x64x256xf32>
    %broadcast_in_dim3A_1210 = vector.shape_cast %get3A_959 : vector<64x256xf32> to vector<1x64x256xf32>
    %add3A_1211 = vector.broadcast %broadcast_in_dim3A_1210 : vector<1x64x256xf32> to vector<12x64x256xf32>
    %add3A_1212 = arith.addf %dot_general3A_1209, %add3A_1211 : vector<12x64x256xf32>
    %exp3A_1213 = math.exp %add3A_1212 : vector<12x64x256xf32>
    %convert_element_type3A_1214 = arith.truncf %exp3A_1213 : vector<12x64x256xf32> to vector<12x64x256xbf16>
    %dot_general3A_1215 = arith.constant dense<0.000000e+00> : vector<12x40x64xf32>
    %dot_general3A_1216 = tpu.matmul %reshape3A_1207, %convert_element_type3A_1214, %dot_general3A_1215 {dimension_numbers = #tpu.dot_dimension_numbers<[2], [2], [1], [1], [0, 0, 0, 1, 1, 1], [0], [0]>, transpose_lhs_hint = false} : vector<12x40x256xbf16>, vector<12x64x256xbf16>, vector<12x40x64xf32> -> vector<12x40x64xf32>
    %slice3A_1217 = vector.extract_strided_slice %dot_general3A_1216 {offsets = [0, 0, 0], sizes = [12, 32, 64], strides = [1, 1, 1]} : vector<12x40x64xf32> to vector<12x32x64xf32>
    %slice3A_1218 = vector.extract_strided_slice %dot_general3A_1216 {offsets = [0, 32, 0], sizes = [12, 1, 64], strides = [1, 1, 1]} : vector<12x40x64xf32> to vector<12x1x64xf32>
    %div3A_1219 = vector.broadcast %slice3A_1218 : vector<12x1x64xf32> to vector<12x32x64xf32>
    %div3A_1220 = arith.divf %slice3A_1217, %div3A_1219 : vector<12x32x64xf32>
    %reshape3A_1221 = vector.shape_cast %div3A_1220 : vector<12x32x64xf32> to vector<384x64xf32>
    %convert_element_type3A_1222 = arith.truncf %reshape3A_1221 : vector<384x64xf32> to vector<384x64xbf16>
    %swap3A_1223 = arith.constant 0 : index
    %swap3A_1224 = arith.constant 512 : index
    %swap3A_1225 = vector.load %arg18[%swap3A_1223, %swap3A_1224] : memref<384x1792xbf16, #tpu.memory_space<vmem>>, vector<384x64xbf16>
    tpu.vector_store %arg18[%swap3A_1223, %swap3A_1224], %convert_element_type3A_1222 {strides = array<i32>} : memref<384x1792xbf16, #tpu.memory_space<vmem>>, vector<384x64xbf16>,
    %get3A_1226 = arith.constant 0 : index
    %get3A_1227 = arith.constant 576 : index
    %get3A_1228 = vector.load %arg17[%get3A_1226, %get3A_1227] : memref<384x1792xbf16, #tpu.memory_space<vmem>>, vector<384x64xbf16>
    %reshape3A_1229 = vector.shape_cast %get3A_1228 : vector<384x64xbf16> to vector<12x32x64xbf16>
    %get3A_1230 = arith.constant 0 : index
    %get3A_1231 = arith.constant 1152 : index
    %get3A_1232 = vector.load %arg15[%get3A_1230, %get3A_1231] : memref<384x3712xbf16, #tpu.memory_space<vmem>>, vector<384x256xbf16>
    %reshape3A_1233 = vector.shape_cast %get3A_1232 : vector<384x256xbf16> to vector<12x32x256xbf16>
    %get3A_1234 = arith.constant 0 : index
    %get3A_1235 = arith.constant 1152 : index
    %get3A_1236 = vector.load %arg16[%get3A_1234, %get3A_1235] : memref<480x3712xbf16, #tpu.memory_space<vmem>>, vector<480x256xbf16>
    %reshape3A_1237 = vector.shape_cast %get3A_1236 : vector<480x256xbf16> to vector<12x40x256xbf16>
    %dot_general3A_1238 = arith.constant dense<0.000000e+00> : vector<12x64x256xf32>
    %dot_general3A_1239 = tpu.matmul %reshape3A_1229, %reshape3A_1233, %dot_general3A_1238 {dimension_numbers = #tpu.dot_dimension_numbers<[1], [1], [2], [2], [0, 0, 0, 2, 1, 2], [0], [0]>, transpose_lhs_hint = false} : vector<12x32x64xbf16>, vector<12x32x256xbf16>, vector<12x64x256xf32> -> vector<12x64x256xf32>
    %broadcast_in_dim3A_1240 = vector.shape_cast %get3A_959 : vector<64x256xf32> to vector<1x64x256xf32>
    %add3A_1241 = vector.broadcast %broadcast_in_dim3A_1240 : vector<1x64x256xf32> to vector<12x64x256xf32>
    %add3A_1242 = arith.addf %dot_general3A_1239, %add3A_1241 : vector<12x64x256xf32>
    %exp3A_1243 = math.exp %add3A_1242 : vector<12x64x256xf32>
    %convert_element_type3A_1244 = arith.truncf %exp3A_1243 : vector<12x64x256xf32> to vector<12x64x256xbf16>
    %dot_general3A_1245 = arith.constant dense<0.000000e+00> : vector<12x40x64xf32>
    %dot_general3A_1246 = tpu.matmul %reshape3A_1237, %convert_element_type3A_1244, %dot_general3A_1245 {dimension_numbers = #tpu.dot_dimension_numbers<[2], [2], [1], [1], [0, 0, 0, 1, 1, 1], [0], [0]>, transpose_lhs_hint = false} : vector<12x40x256xbf16>, vector<12x64x256xbf16>, vector<12x40x64xf32> -> vector<12x40x64xf32>
    %slice3A_1247 = vector.extract_strided_slice %dot_general3A_1246 {offsets = [0, 0, 0], sizes = [12, 32, 64], strides = [1, 1, 1]} : vector<12x40x64xf32> to vector<12x32x64xf32>
    %slice3A_1248 = vector.extract_strided_slice %dot_general3A_1246 {offsets = [0, 32, 0], sizes = [12, 1, 64], strides = [1, 1, 1]} : vector<12x40x64xf32> to vector<12x1x64xf32>
    %div3A_1249 = vector.broadcast %slice3A_1248 : vector<12x1x64xf32> to vector<12x32x64xf32>
    %div3A_1250 = arith.divf %slice3A_1247, %div3A_1249 : vector<12x32x64xf32>
    %reshape3A_1251 = vector.shape_cast %div3A_1250 : vector<12x32x64xf32> to vector<384x64xf32>
    %convert_element_type3A_1252 = arith.truncf %reshape3A_1251 : vector<384x64xf32> to vector<384x64xbf16>
    %swap3A_1253 = arith.constant 0 : index
    %swap3A_1254 = arith.constant 576 : index
    %swap3A_1255 = vector.load %arg18[%swap3A_1253, %swap3A_1254] : memref<384x1792xbf16, #tpu.memory_space<vmem>>, vector<384x64xbf16>
    tpu.vector_store %arg18[%swap3A_1253, %swap3A_1254], %convert_element_type3A_1252 {strides = array<i32>} : memref<384x1792xbf16, #tpu.memory_space<vmem>>, vector<384x64xbf16>,
    %get3A_1256 = arith.constant 0 : index
    %get3A_1257 = arith.constant 640 : index
    %get3A_1258 = vector.load %arg17[%get3A_1256, %get3A_1257] : memref<384x1792xbf16, #tpu.memory_space<vmem>>, vector<384x64xbf16>
    %reshape3A_1259 = vector.shape_cast %get3A_1258 : vector<384x64xbf16> to vector<12x32x64xbf16>
    %get3A_1260 = arith.constant 0 : index
    %get3A_1261 = arith.constant 1280 : index
    %get3A_1262 = vector.load %arg15[%get3A_1260, %get3A_1261] : memref<384x3712xbf16, #tpu.memory_space<vmem>>, vector<384x256xbf16>
    %reshape3A_1263 = vector.shape_cast %get3A_1262 : vector<384x256xbf16> to vector<12x32x256xbf16>
    %get3A_1264 = arith.constant 0 : index
    %get3A_1265 = arith.constant 1280 : index
    %get3A_1266 = vector.load %arg16[%get3A_1264, %get3A_1265] : memref<480x3712xbf16, #tpu.memory_space<vmem>>, vector<480x256xbf16>
    %reshape3A_1267 = vector.shape_cast %get3A_1266 : vector<480x256xbf16> to vector<12x40x256xbf16>
    %dot_general3A_1268 = arith.constant dense<0.000000e+00> : vector<12x64x256xf32>
    %dot_general3A_1269 = tpu.matmul %reshape3A_1259, %reshape3A_1263, %dot_general3A_1268 {dimension_numbers = #tpu.dot_dimension_numbers<[1], [1], [2], [2], [0, 0, 0, 2, 1, 2], [0], [0]>, transpose_lhs_hint = false} : vector<12x32x64xbf16>, vector<12x32x256xbf16>, vector<12x64x256xf32> -> vector<12x64x256xf32>
    %broadcast_in_dim3A_1270 = vector.shape_cast %get3A_959 : vector<64x256xf32> to vector<1x64x256xf32>
    %add3A_1271 = vector.broadcast %broadcast_in_dim3A_1270 : vector<1x64x256xf32> to vector<12x64x256xf32>
    %add3A_1272 = arith.addf %dot_general3A_1269, %add3A_1271 : vector<12x64x256xf32>
    %exp3A_1273 = math.exp %add3A_1272 : vector<12x64x256xf32>
    %convert_element_type3A_1274 = arith.truncf %exp3A_1273 : vector<12x64x256xf32> to vector<12x64x256xbf16>
    %dot_general3A_1275 = arith.constant dense<0.000000e+00> : vector<12x40x64xf32>
    %dot_general3A_1276 = tpu.matmul %reshape3A_1267, %convert_element_type3A_1274, %dot_general3A_1275 {dimension_numbers = #tpu.dot_dimension_numbers<[2], [2], [1], [1], [0, 0, 0, 1, 1, 1], [0], [0]>, transpose_lhs_hint = false} : vector<12x40x256xbf16>, vector<12x64x256xbf16>, vector<12x40x64xf32> -> vector<12x40x64xf32>
    %slice3A_1277 = vector.extract_strided_slice %dot_general3A_1276 {offsets = [0, 0, 0], sizes = [12, 32, 64], strides = [1, 1, 1]} : vector<12x40x64xf32> to vector<12x32x64xf32>
    %slice3A_1278 = vector.extract_strided_slice %dot_general3A_1276 {offsets = [0, 32, 0], sizes = [12, 1, 64], strides = [1, 1, 1]} : vector<12x40x64xf32> to vector<12x1x64xf32>
    %div3A_1279 = vector.broadcast %slice3A_1278 : vector<12x1x64xf32> to vector<12x32x64xf32>
    %div3A_1280 = arith.divf %slice3A_1277, %div3A_1279 : vector<12x32x64xf32>
    %reshape3A_1281 = vector.shape_cast %div3A_1280 : vector<12x32x64xf32> to vector<384x64xf32>
    %convert_element_type3A_1282 = arith.truncf %reshape3A_1281 : vector<384x64xf32> to vector<384x64xbf16>
    %swap3A_1283 = arith.constant 0 : index
    %swap3A_1284 = arith.constant 640 : index
    %swap3A_1285 = vector.load %arg18[%swap3A_1283, %swap3A_1284] : memref<384x1792xbf16, #tpu.memory_space<vmem>>, vector<384x64xbf16>
    tpu.vector_store %arg18[%swap3A_1283, %swap3A_1284], %convert_element_type3A_1282 {strides = array<i32>} : memref<384x1792xbf16, #tpu.memory_space<vmem>>, vector<384x64xbf16>,
    %get3A_1286 = arith.constant 0 : index
    %get3A_1287 = arith.constant 704 : index
    %get3A_1288 = vector.load %arg17[%get3A_1286, %get3A_1287] : memref<384x1792xbf16, #tpu.memory_space<vmem>>, vector<384x64xbf16>
    %reshape3A_1289 = vector.shape_cast %get3A_1288 : vector<384x64xbf16> to vector<12x32x64xbf16>
    %get3A_1290 = arith.constant 0 : index
    %get3A_1291 = arith.constant 1408 : index
    %get3A_1292 = vector.load %arg15[%get3A_1290, %get3A_1291] : memref<384x3712xbf16, #tpu.memory_space<vmem>>, vector<384x256xbf16>
    %reshape3A_1293 = vector.shape_cast %get3A_1292 : vector<384x256xbf16> to vector<12x32x256xbf16>
    %get3A_1294 = arith.constant 0 : index
    %get3A_1295 = arith.constant 1408 : index
    %get3A_1296 = vector.load %arg16[%get3A_1294, %get3A_1295] : memref<480x3712xbf16, #tpu.memory_space<vmem>>, vector<480x256xbf16>
    %reshape3A_1297 = vector.shape_cast %get3A_1296 : vector<480x256xbf16> to vector<12x40x256xbf16>
    %dot_general3A_1298 = arith.constant dense<0.000000e+00> : vector<12x64x256xf32>
    %dot_general3A_1299 = tpu.matmul %reshape3A_1289, %reshape3A_1293, %dot_general3A_1298 {dimension_numbers = #tpu.dot_dimension_numbers<[1], [1], [2], [2], [0, 0, 0, 2, 1, 2], [0], [0]>, transpose_lhs_hint = false} : vector<12x32x64xbf16>, vector<12x32x256xbf16>, vector<12x64x256xf32> -> vector<12x64x256xf32>
    %broadcast_in_dim3A_1300 = vector.shape_cast %get3A_959 : vector<64x256xf32> to vector<1x64x256xf32>
    %add3A_1301 = vector.broadcast %broadcast_in_dim3A_1300 : vector<1x64x256xf32> to vector<12x64x256xf32>
    %add3A_1302 = arith.addf %dot_general3A_1299, %add3A_1301 : vector<12x64x256xf32>
    %exp3A_1303 = math.exp %add3A_1302 : vector<12x64x256xf32>
    %convert_element_type3A_1304 = arith.truncf %exp3A_1303 : vector<12x64x256xf32> to vector<12x64x256xbf16>
    %dot_general3A_1305 = arith.constant dense<0.000000e+00> : vector<12x40x64xf32>
    %dot_general3A_1306 = tpu.matmul %reshape3A_1297, %convert_element_type3A_1304, %dot_general3A_1305 {dimension_numbers = #tpu.dot_dimension_numbers<[2], [2], [1], [1], [0, 0, 0, 1, 1, 1], [0], [0]>, transpose_lhs_hint = false} : vector<12x40x256xbf16>, vector<12x64x256xbf16>, vector<12x40x64xf32> -> vector<12x40x64xf32>
    %slice3A_1307 = vector.extract_strided_slice %dot_general3A_1306 {offsets = [0, 0, 0], sizes = [12, 32, 64], strides = [1, 1, 1]} : vector<12x40x64xf32> to vector<12x32x64xf32>
    %slice3A_1308 = vector.extract_strided_slice %dot_general3A_1306 {offsets = [0, 32, 0], sizes = [12, 1, 64], strides = [1, 1, 1]} : vector<12x40x64xf32> to vector<12x1x64xf32>
    %div3A_1309 = vector.broadcast %slice3A_1308 : vector<12x1x64xf32> to vector<12x32x64xf32>
    %div3A_1310 = arith.divf %slice3A_1307, %div3A_1309 : vector<12x32x64xf32>
    %reshape3A_1311 = vector.shape_cast %div3A_1310 : vector<12x32x64xf32> to vector<384x64xf32>
    %convert_element_type3A_1312 = arith.truncf %reshape3A_1311 : vector<384x64xf32> to vector<384x64xbf16>
    %swap3A_1313 = arith.constant 0 : index
    %swap3A_1314 = arith.constant 704 : index
    %swap3A_1315 = vector.load %arg18[%swap3A_1313, %swap3A_1314] : memref<384x1792xbf16, #tpu.memory_space<vmem>>, vector<384x64xbf16>
    tpu.vector_store %arg18[%swap3A_1313, %swap3A_1314], %convert_element_type3A_1312 {strides = array<i32>} : memref<384x1792xbf16, #tpu.memory_space<vmem>>, vector<384x64xbf16>,
    %get3A_1316 = arith.constant 0 : index
    %get3A_1317 = arith.constant 768 : index
    %get3A_1318 = vector.load %arg17[%get3A_1316, %get3A_1317] : memref<384x1792xbf16, #tpu.memory_space<vmem>>, vector<384x64xbf16>
    %reshape3A_1319 = vector.shape_cast %get3A_1318 : vector<384x64xbf16> to vector<12x32x64xbf16>
    %get3A_1320 = arith.constant 0 : index
    %get3A_1321 = arith.constant 1536 : index
    %get3A_1322 = vector.load %arg15[%get3A_1320, %get3A_1321] : memref<384x3712xbf16, #tpu.memory_space<vmem>>, vector<384x256xbf16>
    %reshape3A_1323 = vector.shape_cast %get3A_1322 : vector<384x256xbf16> to vector<12x32x256xbf16>
    %get3A_1324 = arith.constant 0 : index
    %get3A_1325 = arith.constant 1536 : index
    %get3A_1326 = vector.load %arg16[%get3A_1324, %get3A_1325] : memref<480x3712xbf16, #tpu.memory_space<vmem>>, vector<480x256xbf16>
    %reshape3A_1327 = vector.shape_cast %get3A_1326 : vector<480x256xbf16> to vector<12x40x256xbf16>
    %dot_general3A_1328 = arith.constant dense<0.000000e+00> : vector<12x64x256xf32>
    %dot_general3A_1329 = tpu.matmul %reshape3A_1319, %reshape3A_1323, %dot_general3A_1328 {dimension_numbers = #tpu.dot_dimension_numbers<[1], [1], [2], [2], [0, 0, 0, 2, 1, 2], [0], [0]>, transpose_lhs_hint = false} : vector<12x32x64xbf16>, vector<12x32x256xbf16>, vector<12x64x256xf32> -> vector<12x64x256xf32>
    %broadcast_in_dim3A_1330 = vector.shape_cast %get3A_959 : vector<64x256xf32> to vector<1x64x256xf32>
    %add3A_1331 = vector.broadcast %broadcast_in_dim3A_1330 : vector<1x64x256xf32> to vector<12x64x256xf32>
    %add3A_1332 = arith.addf %dot_general3A_1329, %add3A_1331 : vector<12x64x256xf32>
    %exp3A_1333 = math.exp %add3A_1332 : vector<12x64x256xf32>
    %convert_element_type3A_1334 = arith.truncf %exp3A_1333 : vector<12x64x256xf32> to vector<12x64x256xbf16>
    %dot_general3A_1335 = arith.constant dense<0.000000e+00> : vector<12x40x64xf32>
    %dot_general3A_1336 = tpu.matmul %reshape3A_1327, %convert_element_type3A_1334, %dot_general3A_1335 {dimension_numbers = #tpu.dot_dimension_numbers<[2], [2], [1], [1], [0, 0, 0, 1, 1, 1], [0], [0]>, transpose_lhs_hint = false} : vector<12x40x256xbf16>, vector<12x64x256xbf16>, vector<12x40x64xf32> -> vector<12x40x64xf32>
    %slice3A_1337 = vector.extract_strided_slice %dot_general3A_1336 {offsets = [0, 0, 0], sizes = [12, 32, 64], strides = [1, 1, 1]} : vector<12x40x64xf32> to vector<12x32x64xf32>
    %slice3A_1338 = vector.extract_strided_slice %dot_general3A_1336 {offsets = [0, 32, 0], sizes = [12, 1, 64], strides = [1, 1, 1]} : vector<12x40x64xf32> to vector<12x1x64xf32>
    %div3A_1339 = vector.broadcast %slice3A_1338 : vector<12x1x64xf32> to vector<12x32x64xf32>
    %div3A_1340 = arith.divf %slice3A_1337, %div3A_1339 : vector<12x32x64xf32>
    %reshape3A_1341 = vector.shape_cast %div3A_1340 : vector<12x32x64xf32> to vector<384x64xf32>
    %convert_element_type3A_1342 = arith.truncf %reshape3A_1341 : vector<384x64xf32> to vector<384x64xbf16>
    %swap3A_1343 = arith.constant 0 : index
    %swap3A_1344 = arith.constant 768 : index
    %swap3A_1345 = vector.load %arg18[%swap3A_1343, %swap3A_1344] : memref<384x1792xbf16, #tpu.memory_space<vmem>>, vector<384x64xbf16>
    tpu.vector_store %arg18[%swap3A_1343, %swap3A_1344], %convert_element_type3A_1342 {strides = array<i32>} : memref<384x1792xbf16, #tpu.memory_space<vmem>>, vector<384x64xbf16>,
    %get3A_1346 = arith.constant 0 : index
    %get3A_1347 = arith.constant 832 : index
    %get3A_1348 = vector.load %arg17[%get3A_1346, %get3A_1347] : memref<384x1792xbf16, #tpu.memory_space<vmem>>, vector<384x64xbf16>
    %reshape3A_1349 = vector.shape_cast %get3A_1348 : vector<384x64xbf16> to vector<12x32x64xbf16>
    %get3A_1350 = arith.constant 0 : index
    %get3A_1351 = arith.constant 1664 : index
    %get3A_1352 = vector.load %arg15[%get3A_1350, %get3A_1351] : memref<384x3712xbf16, #tpu.memory_space<vmem>>, vector<384x256xbf16>
    %reshape3A_1353 = vector.shape_cast %get3A_1352 : vector<384x256xbf16> to vector<12x32x256xbf16>
    %get3A_1354 = arith.constant 0 : index
    %get3A_1355 = arith.constant 1664 : index
    %get3A_1356 = vector.load %arg16[%get3A_1354, %get3A_1355] : memref<480x3712xbf16, #tpu.memory_space<vmem>>, vector<480x256xbf16>
    %reshape3A_1357 = vector.shape_cast %get3A_1356 : vector<480x256xbf16> to vector<12x40x256xbf16>
    %dot_general3A_1358 = arith.constant dense<0.000000e+00> : vector<12x64x256xf32>
    %dot_general3A_1359 = tpu.matmul %reshape3A_1349, %reshape3A_1353, %dot_general3A_1358 {dimension_numbers = #tpu.dot_dimension_numbers<[1], [1], [2], [2], [0, 0, 0, 2, 1, 2], [0], [0]>, transpose_lhs_hint = false} : vector<12x32x64xbf16>, vector<12x32x256xbf16>, vector<12x64x256xf32> -> vector<12x64x256xf32>
    %broadcast_in_dim3A_1360 = vector.shape_cast %get3A_959 : vector<64x256xf32> to vector<1x64x256xf32>
    %add3A_1361 = vector.broadcast %broadcast_in_dim3A_1360 : vector<1x64x256xf32> to vector<12x64x256xf32>
    %add3A_1362 = arith.addf %dot_general3A_1359, %add3A_1361 : vector<12x64x256xf32>
    %exp3A_1363 = math.exp %add3A_1362 : vector<12x64x256xf32>
    %convert_element_type3A_1364 = arith.truncf %exp3A_1363 : vector<12x64x256xf32> to vector<12x64x256xbf16>
    %dot_general3A_1365 = arith.constant dense<0.000000e+00> : vector<12x40x64xf32>
    %dot_general3A_1366 = tpu.matmul %reshape3A_1357, %convert_element_type3A_1364, %dot_general3A_1365 {dimension_numbers = #tpu.dot_dimension_numbers<[2], [2], [1], [1], [0, 0, 0, 1, 1, 1], [0], [0]>, transpose_lhs_hint = false} : vector<12x40x256xbf16>, vector<12x64x256xbf16>, vector<12x40x64xf32> -> vector<12x40x64xf32>
    %slice3A_1367 = vector.extract_strided_slice %dot_general3A_1366 {offsets = [0, 0, 0], sizes = [12, 32, 64], strides = [1, 1, 1]} : vector<12x40x64xf32> to vector<12x32x64xf32>
    %slice3A_1368 = vector.extract_strided_slice %dot_general3A_1366 {offsets = [0, 32, 0], sizes = [12, 1, 64], strides = [1, 1, 1]} : vector<12x40x64xf32> to vector<12x1x64xf32>
    %div3A_1369 = vector.broadcast %slice3A_1368 : vector<12x1x64xf32> to vector<12x32x64xf32>
    %div3A_1370 = arith.divf %slice3A_1367, %div3A_1369 : vector<12x32x64xf32>
    %reshape3A_1371 = vector.shape_cast %div3A_1370 : vector<12x32x64xf32> to vector<384x64xf32>
    %convert_element_type3A_1372 = arith.truncf %reshape3A_1371 : vector<384x64xf32> to vector<384x64xbf16>
    %swap3A_1373 = arith.constant 0 : index
    %swap3A_1374 = arith.constant 832 : index
    %swap3A_1375 = vector.load %arg18[%swap3A_1373, %swap3A_1374] : memref<384x1792xbf16, #tpu.memory_space<vmem>>, vector<384x64xbf16>
    tpu.vector_store %arg18[%swap3A_1373, %swap3A_1374], %convert_element_type3A_1372 {strides = array<i32>} : memref<384x1792xbf16, #tpu.memory_space<vmem>>, vector<384x64xbf16>,
    %get3A_1376 = arith.constant 0 : index
    %get3A_1377 = arith.constant 896 : index
    %get3A_1378 = vector.load %arg17[%get3A_1376, %get3A_1377] : memref<384x1792xbf16, #tpu.memory_space<vmem>>, vector<384x64xbf16>
    %reshape3A_1379 = vector.shape_cast %get3A_1378 : vector<384x64xbf16> to vector<12x32x64xbf16>
    %get3A_1380 = arith.constant 0 : index
    %get3A_1381 = arith.constant 1792 : index
    %get3A_1382 = vector.load %arg15[%get3A_1380, %get3A_1381] : memref<384x3712xbf16, #tpu.memory_space<vmem>>, vector<384x256xbf16>
    %reshape3A_1383 = vector.shape_cast %get3A_1382 : vector<384x256xbf16> to vector<12x32x256xbf16>
    %get3A_1384 = arith.constant 0 : index
    %get3A_1385 = arith.constant 1792 : index
    %get3A_1386 = vector.load %arg16[%get3A_1384, %get3A_1385] : memref<480x3712xbf16, #tpu.memory_space<vmem>>, vector<480x256xbf16>
    %reshape3A_1387 = vector.shape_cast %get3A_1386 : vector<480x256xbf16> to vector<12x40x256xbf16>
    %dot_general3A_1388 = arith.constant dense<0.000000e+00> : vector<12x64x256xf32>
    %dot_general3A_1389 = tpu.matmul %reshape3A_1379, %reshape3A_1383, %dot_general3A_1388 {dimension_numbers = #tpu.dot_dimension_numbers<[1], [1], [2], [2], [0, 0, 0, 2, 1, 2], [0], [0]>, transpose_lhs_hint = false} : vector<12x32x64xbf16>, vector<12x32x256xbf16>, vector<12x64x256xf32> -> vector<12x64x256xf32>
    %broadcast_in_dim3A_1390 = vector.shape_cast %get3A_959 : vector<64x256xf32> to vector<1x64x256xf32>
    %add3A_1391 = vector.broadcast %broadcast_in_dim3A_1390 : vector<1x64x256xf32> to vector<12x64x256xf32>
    %add3A_1392 = arith.addf %dot_general3A_1389, %add3A_1391 : vector<12x64x256xf32>
    %exp3A_1393 = math.exp %add3A_1392 : vector<12x64x256xf32>
    %convert_element_type3A_1394 = arith.truncf %exp3A_1393 : vector<12x64x256xf32> to vector<12x64x256xbf16>
    %dot_general3A_1395 = arith.constant dense<0.000000e+00> : vector<12x40x64xf32>
    %dot_general3A_1396 = tpu.matmul %reshape3A_1387, %convert_element_type3A_1394, %dot_general3A_1395 {dimension_numbers = #tpu.dot_dimension_numbers<[2], [2], [1], [1], [0, 0, 0, 1, 1, 1], [0], [0]>, transpose_lhs_hint = false} : vector<12x40x256xbf16>, vector<12x64x256xbf16>, vector<12x40x64xf32> -> vector<12x40x64xf32>
    %slice3A_1397 = vector.extract_strided_slice %dot_general3A_1396 {offsets = [0, 0, 0], sizes = [12, 32, 64], strides = [1, 1, 1]} : vector<12x40x64xf32> to vector<12x32x64xf32>
    %slice3A_1398 = vector.extract_strided_slice %dot_general3A_1396 {offsets = [0, 32, 0], sizes = [12, 1, 64], strides = [1, 1, 1]} : vector<12x40x64xf32> to vector<12x1x64xf32>
    %div3A_1399 = vector.broadcast %slice3A_1398 : vector<12x1x64xf32> to vector<12x32x64xf32>
    %div3A_1400 = arith.divf %slice3A_1397, %div3A_1399 : vector<12x32x64xf32>
    %reshape3A_1401 = vector.shape_cast %div3A_1400 : vector<12x32x64xf32> to vector<384x64xf32>
    %convert_element_type3A_1402 = arith.truncf %reshape3A_1401 : vector<384x64xf32> to vector<384x64xbf16>
    %swap3A_1403 = arith.constant 0 : index
    %swap3A_1404 = arith.constant 896 : index
    %swap3A_1405 = vector.load %arg18[%swap3A_1403, %swap3A_1404] : memref<384x1792xbf16, #tpu.memory_space<vmem>>, vector<384x64xbf16>
    tpu.vector_store %arg18[%swap3A_1403, %swap3A_1404], %convert_element_type3A_1402 {strides = array<i32>} : memref<384x1792xbf16, #tpu.memory_space<vmem>>, vector<384x64xbf16>,
    %get3A_1406 = arith.constant 0 : index
    %get3A_1407 = arith.constant 960 : index
    %get3A_1408 = vector.load %arg17[%get3A_1406, %get3A_1407] : memref<384x1792xbf16, #tpu.memory_space<vmem>>, vector<384x64xbf16>
    %reshape3A_1409 = vector.shape_cast %get3A_1408 : vector<384x64xbf16> to vector<12x32x64xbf16>
    %get3A_1410 = arith.constant 0 : index
    %get3A_1411 = arith.constant 1920 : index
    %get3A_1412 = vector.load %arg15[%get3A_1410, %get3A_1411] : memref<384x3712xbf16, #tpu.memory_space<vmem>>, vector<384x256xbf16>
    %reshape3A_1413 = vector.shape_cast %get3A_1412 : vector<384x256xbf16> to vector<12x32x256xbf16>
    %get3A_1414 = arith.constant 0 : index
    %get3A_1415 = arith.constant 1920 : index
    %get3A_1416 = vector.load %arg16[%get3A_1414, %get3A_1415] : memref<480x3712xbf16, #tpu.memory_space<vmem>>, vector<480x256xbf16>
    %reshape3A_1417 = vector.shape_cast %get3A_1416 : vector<480x256xbf16> to vector<12x40x256xbf16>
    %dot_general3A_1418 = arith.constant dense<0.000000e+00> : vector<12x64x256xf32>
    %dot_general3A_1419 = tpu.matmul %reshape3A_1409, %reshape3A_1413, %dot_general3A_1418 {dimension_numbers = #tpu.dot_dimension_numbers<[1], [1], [2], [2], [0, 0, 0, 2, 1, 2], [0], [0]>, transpose_lhs_hint = false} : vector<12x32x64xbf16>, vector<12x32x256xbf16>, vector<12x64x256xf32> -> vector<12x64x256xf32>
    %broadcast_in_dim3A_1420 = vector.shape_cast %get3A_959 : vector<64x256xf32> to vector<1x64x256xf32>
    %add3A_1421 = vector.broadcast %broadcast_in_dim3A_1420 : vector<1x64x256xf32> to vector<12x64x256xf32>
    %add3A_1422 = arith.addf %dot_general3A_1419, %add3A_1421 : vector<12x64x256xf32>
    %exp3A_1423 = math.exp %add3A_1422 : vector<12x64x256xf32>
    %convert_element_type3A_1424 = arith.truncf %exp3A_1423 : vector<12x64x256xf32> to vector<12x64x256xbf16>
    %dot_general3A_1425 = arith.constant dense<0.000000e+00> : vector<12x40x64xf32>
    %dot_general3A_1426 = tpu.matmul %reshape3A_1417, %convert_element_type3A_1424, %dot_general3A_1425 {dimension_numbers = #tpu.dot_dimension_numbers<[2], [2], [1], [1], [0, 0, 0, 1, 1, 1], [0], [0]>, transpose_lhs_hint = false} : vector<12x40x256xbf16>, vector<12x64x256xbf16>, vector<12x40x64xf32> -> vector<12x40x64xf32>
    %slice3A_1427 = vector.extract_strided_slice %dot_general3A_1426 {offsets = [0, 0, 0], sizes = [12, 32, 64], strides = [1, 1, 1]} : vector<12x40x64xf32> to vector<12x32x64xf32>
    %slice3A_1428 = vector.extract_strided_slice %dot_general3A_1426 {offsets = [0, 32, 0], sizes = [12, 1, 64], strides = [1, 1, 1]} : vector<12x40x64xf32> to vector<12x1x64xf32>
    %div3A_1429 = vector.broadcast %slice3A_1428 : vector<12x1x64xf32> to vector<12x32x64xf32>
    %div3A_1430 = arith.divf %slice3A_1427, %div3A_1429 : vector<12x32x64xf32>
    %reshape3A_1431 = vector.shape_cast %div3A_1430 : vector<12x32x64xf32> to vector<384x64xf32>
    %convert_element_type3A_1432 = arith.truncf %reshape3A_1431 : vector<384x64xf32> to vector<384x64xbf16>
    %swap3A_1433 = arith.constant 0 : index
    %swap3A_1434 = arith.constant 960 : index
    %swap3A_1435 = vector.load %arg18[%swap3A_1433, %swap3A_1434] : memref<384x1792xbf16, #tpu.memory_space<vmem>>, vector<384x64xbf16>
    tpu.vector_store %arg18[%swap3A_1433, %swap3A_1434], %convert_element_type3A_1432 {strides = array<i32>} : memref<384x1792xbf16, #tpu.memory_space<vmem>>, vector<384x64xbf16>,
    %get3A_1436 = arith.constant 0 : index
    %get3A_1437 = arith.constant 1024 : index
    %get3A_1438 = vector.load %arg17[%get3A_1436, %get3A_1437] : memref<384x1792xbf16, #tpu.memory_space<vmem>>, vector<384x64xbf16>
    %reshape3A_1439 = vector.shape_cast %get3A_1438 : vector<384x64xbf16> to vector<12x32x64xbf16>
    %get3A_1440 = arith.constant 0 : index
    %get3A_1441 = arith.constant 2048 : index
    %get3A_1442 = vector.load %arg15[%get3A_1440, %get3A_1441] : memref<384x3712xbf16, #tpu.memory_space<vmem>>, vector<384x256xbf16>
    %reshape3A_1443 = vector.shape_cast %get3A_1442 : vector<384x256xbf16> to vector<12x32x256xbf16>
    %get3A_1444 = arith.constant 0 : index
    %get3A_1445 = arith.constant 2048 : index
    %get3A_1446 = vector.load %arg16[%get3A_1444, %get3A_1445] : memref<480x3712xbf16, #tpu.memory_space<vmem>>, vector<480x256xbf16>
    %reshape3A_1447 = vector.shape_cast %get3A_1446 : vector<480x256xbf16> to vector<12x40x256xbf16>
    %dot_general3A_1448 = arith.constant dense<0.000000e+00> : vector<12x64x256xf32>
    %dot_general3A_1449 = tpu.matmul %reshape3A_1439, %reshape3A_1443, %dot_general3A_1448 {dimension_numbers = #tpu.dot_dimension_numbers<[1], [1], [2], [2], [0, 0, 0, 2, 1, 2], [0], [0]>, transpose_lhs_hint = false} : vector<12x32x64xbf16>, vector<12x32x256xbf16>, vector<12x64x256xf32> -> vector<12x64x256xf32>
    %broadcast_in_dim3A_1450 = vector.shape_cast %get3A_959 : vector<64x256xf32> to vector<1x64x256xf32>
    %add3A_1451 = vector.broadcast %broadcast_in_dim3A_1450 : vector<1x64x256xf32> to vector<12x64x256xf32>
    %add3A_1452 = arith.addf %dot_general3A_1449, %add3A_1451 : vector<12x64x256xf32>
    %exp3A_1453 = math.exp %add3A_1452 : vector<12x64x256xf32>
    %convert_element_type3A_1454 = arith.truncf %exp3A_1453 : vector<12x64x256xf32> to vector<12x64x256xbf16>
    %dot_general3A_1455 = arith.constant dense<0.000000e+00> : vector<12x40x64xf32>
    %dot_general3A_1456 = tpu.matmul %reshape3A_1447, %convert_element_type3A_1454, %dot_general3A_1455 {dimension_numbers = #tpu.dot_dimension_numbers<[2], [2], [1], [1], [0, 0, 0, 1, 1, 1], [0], [0]>, transpose_lhs_hint = false} : vector<12x40x256xbf16>, vector<12x64x256xbf16>, vector<12x40x64xf32> -> vector<12x40x64xf32>
    %slice3A_1457 = vector.extract_strided_slice %dot_general3A_1456 {offsets = [0, 0, 0], sizes = [12, 32, 64], strides = [1, 1, 1]} : vector<12x40x64xf32> to vector<12x32x64xf32>
    %slice3A_1458 = vector.extract_strided_slice %dot_general3A_1456 {offsets = [0, 32, 0], sizes = [12, 1, 64], strides = [1, 1, 1]} : vector<12x40x64xf32> to vector<12x1x64xf32>
    %div3A_1459 = vector.broadcast %slice3A_1458 : vector<12x1x64xf32> to vector<12x32x64xf32>
    %div3A_1460 = arith.divf %slice3A_1457, %div3A_1459 : vector<12x32x64xf32>
    %reshape3A_1461 = vector.shape_cast %div3A_1460 : vector<12x32x64xf32> to vector<384x64xf32>
    %convert_element_type3A_1462 = arith.truncf %reshape3A_1461 : vector<384x64xf32> to vector<384x64xbf16>
    %swap3A_1463 = arith.constant 0 : index
    %swap3A_1464 = arith.constant 1024 : index
    %swap3A_1465 = vector.load %arg18[%swap3A_1463, %swap3A_1464] : memref<384x1792xbf16, #tpu.memory_space<vmem>>, vector<384x64xbf16>
    tpu.vector_store %arg18[%swap3A_1463, %swap3A_1464], %convert_element_type3A_1462 {strides = array<i32>} : memref<384x1792xbf16, #tpu.memory_space<vmem>>, vector<384x64xbf16>,
    %get3A_1466 = arith.constant 0 : index
    %get3A_1467 = arith.constant 1088 : index
    %get3A_1468 = vector.load %arg17[%get3A_1466, %get3A_1467] : memref<384x1792xbf16, #tpu.memory_space<vmem>>, vector<384x64xbf16>
    %reshape3A_1469 = vector.shape_cast %get3A_1468 : vector<384x64xbf16> to vector<12x32x64xbf16>
    %get3A_1470 = arith.constant 0 : index
    %get3A_1471 = arith.constant 2176 : index
    %get3A_1472 = vector.load %arg15[%get3A_1470, %get3A_1471] : memref<384x3712xbf16, #tpu.memory_space<vmem>>, vector<384x256xbf16>
    %reshape3A_1473 = vector.shape_cast %get3A_1472 : vector<384x256xbf16> to vector<12x32x256xbf16>
    %get3A_1474 = arith.constant 0 : index
    %get3A_1475 = arith.constant 2176 : index
    %get3A_1476 = vector.load %arg16[%get3A_1474, %get3A_1475] : memref<480x3712xbf16, #tpu.memory_space<vmem>>, vector<480x256xbf16>
    %reshape3A_1477 = vector.shape_cast %get3A_1476 : vector<480x256xbf16> to vector<12x40x256xbf16>
    %dot_general3A_1478 = arith.constant dense<0.000000e+00> : vector<12x64x256xf32>
    %dot_general3A_1479 = tpu.matmul %reshape3A_1469, %reshape3A_1473, %dot_general3A_1478 {dimension_numbers = #tpu.dot_dimension_numbers<[1], [1], [2], [2], [0, 0, 0, 2, 1, 2], [0], [0]>, transpose_lhs_hint = false} : vector<12x32x64xbf16>, vector<12x32x256xbf16>, vector<12x64x256xf32> -> vector<12x64x256xf32>
    %broadcast_in_dim3A_1480 = vector.shape_cast %get3A_959 : vector<64x256xf32> to vector<1x64x256xf32>
    %add3A_1481 = vector.broadcast %broadcast_in_dim3A_1480 : vector<1x64x256xf32> to vector<12x64x256xf32>
    %add3A_1482 = arith.addf %dot_general3A_1479, %add3A_1481 : vector<12x64x256xf32>
    %exp3A_1483 = math.exp %add3A_1482 : vector<12x64x256xf32>
    %convert_element_type3A_1484 = arith.truncf %exp3A_1483 : vector<12x64x256xf32> to vector<12x64x256xbf16>
    %dot_general3A_1485 = arith.constant dense<0.000000e+00> : vector<12x40x64xf32>
    %dot_general3A_1486 = tpu.matmul %reshape3A_1477, %convert_element_type3A_1484, %dot_general3A_1485 {dimension_numbers = #tpu.dot_dimension_numbers<[2], [2], [1], [1], [0, 0, 0, 1, 1, 1], [0], [0]>, transpose_lhs_hint = false} : vector<12x40x256xbf16>, vector<12x64x256xbf16>, vector<12x40x64xf32> -> vector<12x40x64xf32>
    %slice3A_1487 = vector.extract_strided_slice %dot_general3A_1486 {offsets = [0, 0, 0], sizes = [12, 32, 64], strides = [1, 1, 1]} : vector<12x40x64xf32> to vector<12x32x64xf32>
    %slice3A_1488 = vector.extract_strided_slice %dot_general3A_1486 {offsets = [0, 32, 0], sizes = [12, 1, 64], strides = [1, 1, 1]} : vector<12x40x64xf32> to vector<12x1x64xf32>
    %div3A_1489 = vector.broadcast %slice3A_1488 : vector<12x1x64xf32> to vector<12x32x64xf32>
    %div3A_1490 = arith.divf %slice3A_1487, %div3A_1489 : vector<12x32x64xf32>
    %reshape3A_1491 = vector.shape_cast %div3A_1490 : vector<12x32x64xf32> to vector<384x64xf32>
    %convert_element_type3A_1492 = arith.truncf %reshape3A_1491 : vector<384x64xf32> to vector<384x64xbf16>
    %swap3A_1493 = arith.constant 0 : index
    %swap3A_1494 = arith.constant 1088 : index
    %swap3A_1495 = vector.load %arg18[%swap3A_1493, %swap3A_1494] : memref<384x1792xbf16, #tpu.memory_space<vmem>>, vector<384x64xbf16>
    tpu.vector_store %arg18[%swap3A_1493, %swap3A_1494], %convert_element_type3A_1492 {strides = array<i32>} : memref<384x1792xbf16, #tpu.memory_space<vmem>>, vector<384x64xbf16>,
    %get3A_1496 = arith.constant 0 : index
    %get3A_1497 = arith.constant 1152 : index
    %get3A_1498 = vector.load %arg17[%get3A_1496, %get3A_1497] : memref<384x1792xbf16, #tpu.memory_space<vmem>>, vector<384x64xbf16>
    %reshape3A_1499 = vector.shape_cast %get3A_1498 : vector<384x64xbf16> to vector<12x32x64xbf16>
    %get3A_1500 = arith.constant 0 : index
    %get3A_1501 = arith.constant 2304 : index
    %get3A_1502 = vector.load %arg15[%get3A_1500, %get3A_1501] : memref<384x3712xbf16, #tpu.memory_space<vmem>>, vector<384x256xbf16>
    %reshape3A_1503 = vector.shape_cast %get3A_1502 : vector<384x256xbf16> to vector<12x32x256xbf16>
    %get3A_1504 = arith.constant 0 : index
    %get3A_1505 = arith.constant 2304 : index
    %get3A_1506 = vector.load %arg16[%get3A_1504, %get3A_1505] : memref<480x3712xbf16, #tpu.memory_space<vmem>>, vector<480x256xbf16>
    %reshape3A_1507 = vector.shape_cast %get3A_1506 : vector<480x256xbf16> to vector<12x40x256xbf16>
    %dot_general3A_1508 = arith.constant dense<0.000000e+00> : vector<12x64x256xf32>
    %dot_general3A_1509 = tpu.matmul %reshape3A_1499, %reshape3A_1503, %dot_general3A_1508 {dimension_numbers = #tpu.dot_dimension_numbers<[1], [1], [2], [2], [0, 0, 0, 2, 1, 2], [0], [0]>, transpose_lhs_hint = false} : vector<12x32x64xbf16>, vector<12x32x256xbf16>, vector<12x64x256xf32> -> vector<12x64x256xf32>
    %broadcast_in_dim3A_1510 = vector.shape_cast %get3A_959 : vector<64x256xf32> to vector<1x64x256xf32>
    %add3A_1511 = vector.broadcast %broadcast_in_dim3A_1510 : vector<1x64x256xf32> to vector<12x64x256xf32>
    %add3A_1512 = arith.addf %dot_general3A_1509, %add3A_1511 : vector<12x64x256xf32>
    %exp3A_1513 = math.exp %add3A_1512 : vector<12x64x256xf32>
    %convert_element_type3A_1514 = arith.truncf %exp3A_1513 : vector<12x64x256xf32> to vector<12x64x256xbf16>
    %dot_general3A_1515 = arith.constant dense<0.000000e+00> : vector<12x40x64xf32>
    %dot_general3A_1516 = tpu.matmul %reshape3A_1507, %convert_element_type3A_1514, %dot_general3A_1515 {dimension_numbers = #tpu.dot_dimension_numbers<[2], [2], [1], [1], [0, 0, 0, 1, 1, 1], [0], [0]>, transpose_lhs_hint = false} : vector<12x40x256xbf16>, vector<12x64x256xbf16>, vector<12x40x64xf32> -> vector<12x40x64xf32>
    %slice3A_1517 = vector.extract_strided_slice %dot_general3A_1516 {offsets = [0, 0, 0], sizes = [12, 32, 64], strides = [1, 1, 1]} : vector<12x40x64xf32> to vector<12x32x64xf32>
    %slice3A_1518 = vector.extract_strided_slice %dot_general3A_1516 {offsets = [0, 32, 0], sizes = [12, 1, 64], strides = [1, 1, 1]} : vector<12x40x64xf32> to vector<12x1x64xf32>
    %div3A_1519 = vector.broadcast %slice3A_1518 : vector<12x1x64xf32> to vector<12x32x64xf32>
    %div3A_1520 = arith.divf %slice3A_1517, %div3A_1519 : vector<12x32x64xf32>
    %reshape3A_1521 = vector.shape_cast %div3A_1520 : vector<12x32x64xf32> to vector<384x64xf32>
    %convert_element_type3A_1522 = arith.truncf %reshape3A_1521 : vector<384x64xf32> to vector<384x64xbf16>
    %swap3A_1523 = arith.constant 0 : index
    %swap3A_1524 = arith.constant 1152 : index
    %swap3A_1525 = vector.load %arg18[%swap3A_1523, %swap3A_1524] : memref<384x1792xbf16, #tpu.memory_space<vmem>>, vector<384x64xbf16>
    tpu.vector_store %arg18[%swap3A_1523, %swap3A_1524], %convert_element_type3A_1522 {strides = array<i32>} : memref<384x1792xbf16, #tpu.memory_space<vmem>>, vector<384x64xbf16>,
    %get3A_1526 = arith.constant 0 : index
    %get3A_1527 = arith.constant 1216 : index
    %get3A_1528 = vector.load %arg17[%get3A_1526, %get3A_1527] : memref<384x1792xbf16, #tpu.memory_space<vmem>>, vector<384x64xbf16>
    %reshape3A_1529 = vector.shape_cast %get3A_1528 : vector<384x64xbf16> to vector<12x32x64xbf16>
    %get3A_1530 = arith.constant 0 : index
    %get3A_1531 = arith.constant 2432 : index
    %get3A_1532 = vector.load %arg15[%get3A_1530, %get3A_1531] : memref<384x3712xbf16, #tpu.memory_space<vmem>>, vector<384x256xbf16>
    %reshape3A_1533 = vector.shape_cast %get3A_1532 : vector<384x256xbf16> to vector<12x32x256xbf16>
    %get3A_1534 = arith.constant 0 : index
    %get3A_1535 = arith.constant 2432 : index
    %get3A_1536 = vector.load %arg16[%get3A_1534, %get3A_1535] : memref<480x3712xbf16, #tpu.memory_space<vmem>>, vector<480x256xbf16>
    %reshape3A_1537 = vector.shape_cast %get3A_1536 : vector<480x256xbf16> to vector<12x40x256xbf16>
    %dot_general3A_1538 = arith.constant dense<0.000000e+00> : vector<12x64x256xf32>
    %dot_general3A_1539 = tpu.matmul %reshape3A_1529, %reshape3A_1533, %dot_general3A_1538 {dimension_numbers = #tpu.dot_dimension_numbers<[1], [1], [2], [2], [0, 0, 0, 2, 1, 2], [0], [0]>, transpose_lhs_hint = false} : vector<12x32x64xbf16>, vector<12x32x256xbf16>, vector<12x64x256xf32> -> vector<12x64x256xf32>
    %broadcast_in_dim3A_1540 = vector.shape_cast %get3A_959 : vector<64x256xf32> to vector<1x64x256xf32>
    %add3A_1541 = vector.broadcast %broadcast_in_dim3A_1540 : vector<1x64x256xf32> to vector<12x64x256xf32>
    %add3A_1542 = arith.addf %dot_general3A_1539, %add3A_1541 : vector<12x64x256xf32>
    %exp3A_1543 = math.exp %add3A_1542 : vector<12x64x256xf32>
    %convert_element_type3A_1544 = arith.truncf %exp3A_1543 : vector<12x64x256xf32> to vector<12x64x256xbf16>
    %dot_general3A_1545 = arith.constant dense<0.000000e+00> : vector<12x40x64xf32>
    %dot_general3A_1546 = tpu.matmul %reshape3A_1537, %convert_element_type3A_1544, %dot_general3A_1545 {dimension_numbers = #tpu.dot_dimension_numbers<[2], [2], [1], [1], [0, 0, 0, 1, 1, 1], [0], [0]>, transpose_lhs_hint = false} : vector<12x40x256xbf16>, vector<12x64x256xbf16>, vector<12x40x64xf32> -> vector<12x40x64xf32>
    %slice3A_1547 = vector.extract_strided_slice %dot_general3A_1546 {offsets = [0, 0, 0], sizes = [12, 32, 64], strides = [1, 1, 1]} : vector<12x40x64xf32> to vector<12x32x64xf32>
    %slice3A_1548 = vector.extract_strided_slice %dot_general3A_1546 {offsets = [0, 32, 0], sizes = [12, 1, 64], strides = [1, 1, 1]} : vector<12x40x64xf32> to vector<12x1x64xf32>
    %div3A_1549 = vector.broadcast %slice3A_1548 : vector<12x1x64xf32> to vector<12x32x64xf32>
    %div3A_1550 = arith.divf %slice3A_1547, %div3A_1549 : vector<12x32x64xf32>
    %reshape3A_1551 = vector.shape_cast %div3A_1550 : vector<12x32x64xf32> to vector<384x64xf32>
    %convert_element_type3A_1552 = arith.truncf %reshape3A_1551 : vector<384x64xf32> to vector<384x64xbf16>
    %swap3A_1553 = arith.constant 0 : index
    %swap3A_1554 = arith.constant 1216 : index
    %swap3A_1555 = vector.load %arg18[%swap3A_1553, %swap3A_1554] : memref<384x1792xbf16, #tpu.memory_space<vmem>>, vector<384x64xbf16>
    tpu.vector_store %arg18[%swap3A_1553, %swap3A_1554], %convert_element_type3A_1552 {strides = array<i32>} : memref<384x1792xbf16, #tpu.memory_space<vmem>>, vector<384x64xbf16>,
    %get3A_1556 = arith.constant 0 : index
    %get3A_1557 = arith.constant 1280 : index
    %get3A_1558 = vector.load %arg17[%get3A_1556, %get3A_1557] : memref<384x1792xbf16, #tpu.memory_space<vmem>>, vector<384x64xbf16>
    %reshape3A_1559 = vector.shape_cast %get3A_1558 : vector<384x64xbf16> to vector<12x32x64xbf16>
    %get3A_1560 = arith.constant 0 : index
    %get3A_1561 = arith.constant 2560 : index
    %get3A_1562 = vector.load %arg15[%get3A_1560, %get3A_1561] : memref<384x3712xbf16, #tpu.memory_space<vmem>>, vector<384x256xbf16>
    %reshape3A_1563 = vector.shape_cast %get3A_1562 : vector<384x256xbf16> to vector<12x32x256xbf16>
    %get3A_1564 = arith.constant 0 : index
    %get3A_1565 = arith.constant 2560 : index
    %get3A_1566 = vector.load %arg16[%get3A_1564, %get3A_1565] : memref<480x3712xbf16, #tpu.memory_space<vmem>>, vector<480x256xbf16>
    %reshape3A_1567 = vector.shape_cast %get3A_1566 : vector<480x256xbf16> to vector<12x40x256xbf16>
    %dot_general3A_1568 = arith.constant dense<0.000000e+00> : vector<12x64x256xf32>
    %dot_general3A_1569 = tpu.matmul %reshape3A_1559, %reshape3A_1563, %dot_general3A_1568 {dimension_numbers = #tpu.dot_dimension_numbers<[1], [1], [2], [2], [0, 0, 0, 2, 1, 2], [0], [0]>, transpose_lhs_hint = false} : vector<12x32x64xbf16>, vector<12x32x256xbf16>, vector<12x64x256xf32> -> vector<12x64x256xf32>
    %broadcast_in_dim3A_1570 = vector.shape_cast %get3A_959 : vector<64x256xf32> to vector<1x64x256xf32>
    %add3A_1571 = vector.broadcast %broadcast_in_dim3A_1570 : vector<1x64x256xf32> to vector<12x64x256xf32>
    %add3A_1572 = arith.addf %dot_general3A_1569, %add3A_1571 : vector<12x64x256xf32>
    %exp3A_1573 = math.exp %add3A_1572 : vector<12x64x256xf32>
    %convert_element_type3A_1574 = arith.truncf %exp3A_1573 : vector<12x64x256xf32> to vector<12x64x256xbf16>
    %dot_general3A_1575 = arith.constant dense<0.000000e+00> : vector<12x40x64xf32>
    %dot_general3A_1576 = tpu.matmul %reshape3A_1567, %convert_element_type3A_1574, %dot_general3A_1575 {dimension_numbers = #tpu.dot_dimension_numbers<[2], [2], [1], [1], [0, 0, 0, 1, 1, 1], [0], [0]>, transpose_lhs_hint = false} : vector<12x40x256xbf16>, vector<12x64x256xbf16>, vector<12x40x64xf32> -> vector<12x40x64xf32>
    %slice3A_1577 = vector.extract_strided_slice %dot_general3A_1576 {offsets = [0, 0, 0], sizes = [12, 32, 64], strides = [1, 1, 1]} : vector<12x40x64xf32> to vector<12x32x64xf32>
    %slice3A_1578 = vector.extract_strided_slice %dot_general3A_1576 {offsets = [0, 32, 0], sizes = [12, 1, 64], strides = [1, 1, 1]} : vector<12x40x64xf32> to vector<12x1x64xf32>
    %div3A_1579 = vector.broadcast %slice3A_1578 : vector<12x1x64xf32> to vector<12x32x64xf32>
    %div3A_1580 = arith.divf %slice3A_1577, %div3A_1579 : vector<12x32x64xf32>
    %reshape3A_1581 = vector.shape_cast %div3A_1580 : vector<12x32x64xf32> to vector<384x64xf32>
    %convert_element_type3A_1582 = arith.truncf %reshape3A_1581 : vector<384x64xf32> to vector<384x64xbf16>
    %swap3A_1583 = arith.constant 0 : index
    %swap3A_1584 = arith.constant 1280 : index
    %swap3A_1585 = vector.load %arg18[%swap3A_1583, %swap3A_1584] : memref<384x1792xbf16, #tpu.memory_space<vmem>>, vector<384x64xbf16>
    tpu.vector_store %arg18[%swap3A_1583, %swap3A_1584], %convert_element_type3A_1582 {strides = array<i32>} : memref<384x1792xbf16, #tpu.memory_space<vmem>>, vector<384x64xbf16>,
    %get3A_1586 = arith.constant 0 : index
    %get3A_1587 = arith.constant 1344 : index
    %get3A_1588 = vector.load %arg17[%get3A_1586, %get3A_1587] : memref<384x1792xbf16, #tpu.memory_space<vmem>>, vector<384x64xbf16>
    %reshape3A_1589 = vector.shape_cast %get3A_1588 : vector<384x64xbf16> to vector<12x32x64xbf16>
    %get3A_1590 = arith.constant 0 : index
    %get3A_1591 = arith.constant 2688 : index
    %get3A_1592 = vector.load %arg15[%get3A_1590, %get3A_1591] : memref<384x3712xbf16, #tpu.memory_space<vmem>>, vector<384x256xbf16>
    %reshape3A_1593 = vector.shape_cast %get3A_1592 : vector<384x256xbf16> to vector<12x32x256xbf16>
    %get3A_1594 = arith.constant 0 : index
    %get3A_1595 = arith.constant 2688 : index
    %get3A_1596 = vector.load %arg16[%get3A_1594, %get3A_1595] : memref<480x3712xbf16, #tpu.memory_space<vmem>>, vector<480x256xbf16>
    %reshape3A_1597 = vector.shape_cast %get3A_1596 : vector<480x256xbf16> to vector<12x40x256xbf16>
    %dot_general3A_1598 = arith.constant dense<0.000000e+00> : vector<12x64x256xf32>
    %dot_general3A_1599 = tpu.matmul %reshape3A_1589, %reshape3A_1593, %dot_general3A_1598 {dimension_numbers = #tpu.dot_dimension_numbers<[1], [1], [2], [2], [0, 0, 0, 2, 1, 2], [0], [0]>, transpose_lhs_hint = false} : vector<12x32x64xbf16>, vector<12x32x256xbf16>, vector<12x64x256xf32> -> vector<12x64x256xf32>
    %broadcast_in_dim3A_1600 = vector.shape_cast %get3A_959 : vector<64x256xf32> to vector<1x64x256xf32>
    %add3A_1601 = vector.broadcast %broadcast_in_dim3A_1600 : vector<1x64x256xf32> to vector<12x64x256xf32>
    %add3A_1602 = arith.addf %dot_general3A_1599, %add3A_1601 : vector<12x64x256xf32>
    %exp3A_1603 = math.exp %add3A_1602 : vector<12x64x256xf32>
    %convert_element_type3A_1604 = arith.truncf %exp3A_1603 : vector<12x64x256xf32> to vector<12x64x256xbf16>
    %dot_general3A_1605 = arith.constant dense<0.000000e+00> : vector<12x40x64xf32>
    %dot_general3A_1606 = tpu.matmul %reshape3A_1597, %convert_element_type3A_1604, %dot_general3A_1605 {dimension_numbers = #tpu.dot_dimension_numbers<[2], [2], [1], [1], [0, 0, 0, 1, 1, 1], [0], [0]>, transpose_lhs_hint = false} : vector<12x40x256xbf16>, vector<12x64x256xbf16>, vector<12x40x64xf32> -> vector<12x40x64xf32>
    %slice3A_1607 = vector.extract_strided_slice %dot_general3A_1606 {offsets = [0, 0, 0], sizes = [12, 32, 64], strides = [1, 1, 1]} : vector<12x40x64xf32> to vector<12x32x64xf32>
    %slice3A_1608 = vector.extract_strided_slice %dot_general3A_1606 {offsets = [0, 32, 0], sizes = [12, 1, 64], strides = [1, 1, 1]} : vector<12x40x64xf32> to vector<12x1x64xf32>
    %div3A_1609 = vector.broadcast %slice3A_1608 : vector<12x1x64xf32> to vector<12x32x64xf32>
    %div3A_1610 = arith.divf %slice3A_1607, %div3A_1609 : vector<12x32x64xf32>
    %reshape3A_1611 = vector.shape_cast %div3A_1610 : vector<12x32x64xf32> to vector<384x64xf32>
    %convert_element_type3A_1612 = arith.truncf %reshape3A_1611 : vector<384x64xf32> to vector<384x64xbf16>
    %swap3A_1613 = arith.constant 0 : index
    %swap3A_1614 = arith.constant 1344 : index
    %swap3A_1615 = vector.load %arg18[%swap3A_1613, %swap3A_1614] : memref<384x1792xbf16, #tpu.memory_space<vmem>>, vector<384x64xbf16>
    tpu.vector_store %arg18[%swap3A_1613, %swap3A_1614], %convert_element_type3A_1612 {strides = array<i32>} : memref<384x1792xbf16, #tpu.memory_space<vmem>>, vector<384x64xbf16>,
    %get3A_1616 = arith.constant 0 : index
    %get3A_1617 = arith.constant 1408 : index
    %get3A_1618 = vector.load %arg17[%get3A_1616, %get3A_1617] : memref<384x1792xbf16, #tpu.memory_space<vmem>>, vector<384x64xbf16>
    %reshape3A_1619 = vector.shape_cast %get3A_1618 : vector<384x64xbf16> to vector<12x32x64xbf16>
    %get3A_1620 = arith.constant 0 : index
    %get3A_1621 = arith.constant 2816 : index
    %get3A_1622 = vector.load %arg15[%get3A_1620, %get3A_1621] : memref<384x3712xbf16, #tpu.memory_space<vmem>>, vector<384x256xbf16>
    %reshape3A_1623 = vector.shape_cast %get3A_1622 : vector<384x256xbf16> to vector<12x32x256xbf16>
    %get3A_1624 = arith.constant 0 : index
    %get3A_1625 = arith.constant 2816 : index
    %get3A_1626 = vector.load %arg16[%get3A_1624, %get3A_1625] : memref<480x3712xbf16, #tpu.memory_space<vmem>>, vector<480x256xbf16>
    %reshape3A_1627 = vector.shape_cast %get3A_1626 : vector<480x256xbf16> to vector<12x40x256xbf16>
    %dot_general3A_1628 = arith.constant dense<0.000000e+00> : vector<12x64x256xf32>
    %dot_general3A_1629 = tpu.matmul %reshape3A_1619, %reshape3A_1623, %dot_general3A_1628 {dimension_numbers = #tpu.dot_dimension_numbers<[1], [1], [2], [2], [0, 0, 0, 2, 1, 2], [0], [0]>, transpose_lhs_hint = false} : vector<12x32x64xbf16>, vector<12x32x256xbf16>, vector<12x64x256xf32> -> vector<12x64x256xf32>
    %broadcast_in_dim3A_1630 = vector.shape_cast %get3A_959 : vector<64x256xf32> to vector<1x64x256xf32>
    %add3A_1631 = vector.broadcast %broadcast_in_dim3A_1630 : vector<1x64x256xf32> to vector<12x64x256xf32>
    %add3A_1632 = arith.addf %dot_general3A_1629, %add3A_1631 : vector<12x64x256xf32>
    %exp3A_1633 = math.exp %add3A_1632 : vector<12x64x256xf32>
    %convert_element_type3A_1634 = arith.truncf %exp3A_1633 : vector<12x64x256xf32> to vector<12x64x256xbf16>
    %dot_general3A_1635 = arith.constant dense<0.000000e+00> : vector<12x40x64xf32>
    %dot_general3A_1636 = tpu.matmul %reshape3A_1627, %convert_element_type3A_1634, %dot_general3A_1635 {dimension_numbers = #tpu.dot_dimension_numbers<[2], [2], [1], [1], [0, 0, 0, 1, 1, 1], [0], [0]>, transpose_lhs_hint = false} : vector<12x40x256xbf16>, vector<12x64x256xbf16>, vector<12x40x64xf32> -> vector<12x40x64xf32>
    %slice3A_1637 = vector.extract_strided_slice %dot_general3A_1636 {offsets = [0, 0, 0], sizes = [12, 32, 64], strides = [1, 1, 1]} : vector<12x40x64xf32> to vector<12x32x64xf32>
    %slice3A_1638 = vector.extract_strided_slice %dot_general3A_1636 {offsets = [0, 32, 0], sizes = [12, 1, 64], strides = [1, 1, 1]} : vector<12x40x64xf32> to vector<12x1x64xf32>
    %div3A_1639 = vector.broadcast %slice3A_1638 : vector<12x1x64xf32> to vector<12x32x64xf32>
    %div3A_1640 = arith.divf %slice3A_1637, %div3A_1639 : vector<12x32x64xf32>
    %reshape3A_1641 = vector.shape_cast %div3A_1640 : vector<12x32x64xf32> to vector<384x64xf32>
    %convert_element_type3A_1642 = arith.truncf %reshape3A_1641 : vector<384x64xf32> to vector<384x64xbf16>
    %swap3A_1643 = arith.constant 0 : index
    %swap3A_1644 = arith.constant 1408 : index
    %swap3A_1645 = vector.load %arg18[%swap3A_1643, %swap3A_1644] : memref<384x1792xbf16, #tpu.memory_space<vmem>>, vector<384x64xbf16>
    tpu.vector_store %arg18[%swap3A_1643, %swap3A_1644], %convert_element_type3A_1642 {strides = array<i32>} : memref<384x1792xbf16, #tpu.memory_space<vmem>>, vector<384x64xbf16>,
    %get3A_1646 = arith.constant 0 : index
    %get3A_1647 = arith.constant 1472 : index
    %get3A_1648 = vector.load %arg17[%get3A_1646, %get3A_1647] : memref<384x1792xbf16, #tpu.memory_space<vmem>>, vector<384x64xbf16>
    %reshape3A_1649 = vector.shape_cast %get3A_1648 : vector<384x64xbf16> to vector<12x32x64xbf16>
    %get3A_1650 = arith.constant 0 : index
    %get3A_1651 = arith.constant 2944 : index
    %get3A_1652 = vector.load %arg15[%get3A_1650, %get3A_1651] : memref<384x3712xbf16, #tpu.memory_space<vmem>>, vector<384x256xbf16>
    %reshape3A_1653 = vector.shape_cast %get3A_1652 : vector<384x256xbf16> to vector<12x32x256xbf16>
    %get3A_1654 = arith.constant 0 : index
    %get3A_1655 = arith.constant 2944 : index
    %get3A_1656 = vector.load %arg16[%get3A_1654, %get3A_1655] : memref<480x3712xbf16, #tpu.memory_space<vmem>>, vector<480x256xbf16>
    %reshape3A_1657 = vector.shape_cast %get3A_1656 : vector<480x256xbf16> to vector<12x40x256xbf16>
    %dot_general3A_1658 = arith.constant dense<0.000000e+00> : vector<12x64x256xf32>
    %dot_general3A_1659 = tpu.matmul %reshape3A_1649, %reshape3A_1653, %dot_general3A_1658 {dimension_numbers = #tpu.dot_dimension_numbers<[1], [1], [2], [2], [0, 0, 0, 2, 1, 2], [0], [0]>, transpose_lhs_hint = false} : vector<12x32x64xbf16>, vector<12x32x256xbf16>, vector<12x64x256xf32> -> vector<12x64x256xf32>
    %broadcast_in_dim3A_1660 = vector.shape_cast %get3A_959 : vector<64x256xf32> to vector<1x64x256xf32>
    %add3A_1661 = vector.broadcast %broadcast_in_dim3A_1660 : vector<1x64x256xf32> to vector<12x64x256xf32>
    %add3A_1662 = arith.addf %dot_general3A_1659, %add3A_1661 : vector<12x64x256xf32>
    %exp3A_1663 = math.exp %add3A_1662 : vector<12x64x256xf32>
    %convert_element_type3A_1664 = arith.truncf %exp3A_1663 : vector<12x64x256xf32> to vector<12x64x256xbf16>
    %dot_general3A_1665 = arith.constant dense<0.000000e+00> : vector<12x40x64xf32>
    %dot_general3A_1666 = tpu.matmul %reshape3A_1657, %convert_element_type3A_1664, %dot_general3A_1665 {dimension_numbers = #tpu.dot_dimension_numbers<[2], [2], [1], [1], [0, 0, 0, 1, 1, 1], [0], [0]>, transpose_lhs_hint = false} : vector<12x40x256xbf16>, vector<12x64x256xbf16>, vector<12x40x64xf32> -> vector<12x40x64xf32>
    %slice3A_1667 = vector.extract_strided_slice %dot_general3A_1666 {offsets = [0, 0, 0], sizes = [12, 32, 64], strides = [1, 1, 1]} : vector<12x40x64xf32> to vector<12x32x64xf32>
    %slice3A_1668 = vector.extract_strided_slice %dot_general3A_1666 {offsets = [0, 32, 0], sizes = [12, 1, 64], strides = [1, 1, 1]} : vector<12x40x64xf32> to vector<12x1x64xf32>
    %div3A_1669 = vector.broadcast %slice3A_1668 : vector<12x1x64xf32> to vector<12x32x64xf32>
    %div3A_1670 = arith.divf %slice3A_1667, %div3A_1669 : vector<12x32x64xf32>
    %reshape3A_1671 = vector.shape_cast %div3A_1670 : vector<12x32x64xf32> to vector<384x64xf32>
    %convert_element_type3A_1672 = arith.truncf %reshape3A_1671 : vector<384x64xf32> to vector<384x64xbf16>
    %swap3A_1673 = arith.constant 0 : index
    %swap3A_1674 = arith.constant 1472 : index
    %swap3A_1675 = vector.load %arg18[%swap3A_1673, %swap3A_1674] : memref<384x1792xbf16, #tpu.memory_space<vmem>>, vector<384x64xbf16>
    tpu.vector_store %arg18[%swap3A_1673, %swap3A_1674], %convert_element_type3A_1672 {strides = array<i32>} : memref<384x1792xbf16, #tpu.memory_space<vmem>>, vector<384x64xbf16>,
    %get3A_1676 = arith.constant 0 : index
    %get3A_1677 = arith.constant 1536 : index
    %get3A_1678 = vector.load %arg17[%get3A_1676, %get3A_1677] : memref<384x1792xbf16, #tpu.memory_space<vmem>>, vector<384x64xbf16>
    %reshape3A_1679 = vector.shape_cast %get3A_1678 : vector<384x64xbf16> to vector<12x32x64xbf16>
    %get3A_1680 = arith.constant 0 : index
    %get3A_1681 = arith.constant 3072 : index
    %get3A_1682 = vector.load %arg15[%get3A_1680, %get3A_1681] : memref<384x3712xbf16, #tpu.memory_space<vmem>>, vector<384x256xbf16>
    %reshape3A_1683 = vector.shape_cast %get3A_1682 : vector<384x256xbf16> to vector<12x32x256xbf16>
    %get3A_1684 = arith.constant 0 : index
    %get3A_1685 = arith.constant 3072 : index
    %get3A_1686 = vector.load %arg16[%get3A_1684, %get3A_1685] : memref<480x3712xbf16, #tpu.memory_space<vmem>>, vector<480x256xbf16>
    %reshape3A_1687 = vector.shape_cast %get3A_1686 : vector<480x256xbf16> to vector<12x40x256xbf16>
    %dot_general3A_1688 = arith.constant dense<0.000000e+00> : vector<12x64x256xf32>
    %dot_general3A_1689 = tpu.matmul %reshape3A_1679, %reshape3A_1683, %dot_general3A_1688 {dimension_numbers = #tpu.dot_dimension_numbers<[1], [1], [2], [2], [0, 0, 0, 2, 1, 2], [0], [0]>, transpose_lhs_hint = false} : vector<12x32x64xbf16>, vector<12x32x256xbf16>, vector<12x64x256xf32> -> vector<12x64x256xf32>
    %broadcast_in_dim3A_1690 = vector.shape_cast %get3A_959 : vector<64x256xf32> to vector<1x64x256xf32>
    %add3A_1691 = vector.broadcast %broadcast_in_dim3A_1690 : vector<1x64x256xf32> to vector<12x64x256xf32>
    %add3A_1692 = arith.addf %dot_general3A_1689, %add3A_1691 : vector<12x64x256xf32>
    %exp3A_1693 = math.exp %add3A_1692 : vector<12x64x256xf32>
    %convert_element_type3A_1694 = arith.truncf %exp3A_1693 : vector<12x64x256xf32> to vector<12x64x256xbf16>
    %dot_general3A_1695 = arith.constant dense<0.000000e+00> : vector<12x40x64xf32>
    %dot_general3A_1696 = tpu.matmul %reshape3A_1687, %convert_element_type3A_1694, %dot_general3A_1695 {dimension_numbers = #tpu.dot_dimension_numbers<[2], [2], [1], [1], [0, 0, 0, 1, 1, 1], [0], [0]>, transpose_lhs_hint = false} : vector<12x40x256xbf16>, vector<12x64x256xbf16>, vector<12x40x64xf32> -> vector<12x40x64xf32>
    %slice3A_1697 = vector.extract_strided_slice %dot_general3A_1696 {offsets = [0, 0, 0], sizes = [12, 32, 64], strides = [1, 1, 1]} : vector<12x40x64xf32> to vector<12x32x64xf32>
    %slice3A_1698 = vector.extract_strided_slice %dot_general3A_1696 {offsets = [0, 32, 0], sizes = [12, 1, 64], strides = [1, 1, 1]} : vector<12x40x64xf32> to vector<12x1x64xf32>
    %div3A_1699 = vector.broadcast %slice3A_1698 : vector<12x1x64xf32> to vector<12x32x64xf32>
    %div3A_1700 = arith.divf %slice3A_1697, %div3A_1699 : vector<12x32x64xf32>
    %reshape3A_1701 = vector.shape_cast %div3A_1700 : vector<12x32x64xf32> to vector<384x64xf32>
    %convert_element_type3A_1702 = arith.truncf %reshape3A_1701 : vector<384x64xf32> to vector<384x64xbf16>
    %swap3A_1703 = arith.constant 0 : index
    %swap3A_1704 = arith.constant 1536 : index
    %swap3A_1705 = vector.load %arg18[%swap3A_1703, %swap3A_1704] : memref<384x1792xbf16, #tpu.memory_space<vmem>>, vector<384x64xbf16>
    tpu.vector_store %arg18[%swap3A_1703, %swap3A_1704], %convert_element_type3A_1702 {strides = array<i32>} : memref<384x1792xbf16, #tpu.memory_space<vmem>>, vector<384x64xbf16>,
    %get3A_1706 = arith.constant 0 : index
    %get3A_1707 = arith.constant 1600 : index
    %get3A_1708 = vector.load %arg17[%get3A_1706, %get3A_1707] : memref<384x1792xbf16, #tpu.memory_space<vmem>>, vector<384x64xbf16>
    %reshape3A_1709 = vector.shape_cast %get3A_1708 : vector<384x64xbf16> to vector<12x32x64xbf16>
    %get3A_1710 = arith.constant 0 : index
    %get3A_1711 = arith.constant 3200 : index
    %get3A_1712 = vector.load %arg15[%get3A_1710, %get3A_1711] : memref<384x3712xbf16, #tpu.memory_space<vmem>>, vector<384x256xbf16>
    %reshape3A_1713 = vector.shape_cast %get3A_1712 : vector<384x256xbf16> to vector<12x32x256xbf16>
    %get3A_1714 = arith.constant 0 : index
    %get3A_1715 = arith.constant 3200 : index
    %get3A_1716 = vector.load %arg16[%get3A_1714, %get3A_1715] : memref<480x3712xbf16, #tpu.memory_space<vmem>>, vector<480x256xbf16>
    %reshape3A_1717 = vector.shape_cast %get3A_1716 : vector<480x256xbf16> to vector<12x40x256xbf16>
    %dot_general3A_1718 = arith.constant dense<0.000000e+00> : vector<12x64x256xf32>
    %dot_general3A_1719 = tpu.matmul %reshape3A_1709, %reshape3A_1713, %dot_general3A_1718 {dimension_numbers = #tpu.dot_dimension_numbers<[1], [1], [2], [2], [0, 0, 0, 2, 1, 2], [0], [0]>, transpose_lhs_hint = false} : vector<12x32x64xbf16>, vector<12x32x256xbf16>, vector<12x64x256xf32> -> vector<12x64x256xf32>
    %broadcast_in_dim3A_1720 = vector.shape_cast %get3A_959 : vector<64x256xf32> to vector<1x64x256xf32>
    %add3A_1721 = vector.broadcast %broadcast_in_dim3A_1720 : vector<1x64x256xf32> to vector<12x64x256xf32>
    %add3A_1722 = arith.addf %dot_general3A_1719, %add3A_1721 : vector<12x64x256xf32>
    %exp3A_1723 = math.exp %add3A_1722 : vector<12x64x256xf32>
    %convert_element_type3A_1724 = arith.truncf %exp3A_1723 : vector<12x64x256xf32> to vector<12x64x256xbf16>
    %dot_general3A_1725 = arith.constant dense<0.000000e+00> : vector<12x40x64xf32>
    %dot_general3A_1726 = tpu.matmul %reshape3A_1717, %convert_element_type3A_1724, %dot_general3A_1725 {dimension_numbers = #tpu.dot_dimension_numbers<[2], [2], [1], [1], [0, 0, 0, 1, 1, 1], [0], [0]>, transpose_lhs_hint = false} : vector<12x40x256xbf16>, vector<12x64x256xbf16>, vector<12x40x64xf32> -> vector<12x40x64xf32>
    %slice3A_1727 = vector.extract_strided_slice %dot_general3A_1726 {offsets = [0, 0, 0], sizes = [12, 32, 64], strides = [1, 1, 1]} : vector<12x40x64xf32> to vector<12x32x64xf32>
    %slice3A_1728 = vector.extract_strided_slice %dot_general3A_1726 {offsets = [0, 32, 0], sizes = [12, 1, 64], strides = [1, 1, 1]} : vector<12x40x64xf32> to vector<12x1x64xf32>
    %div3A_1729 = vector.broadcast %slice3A_1728 : vector<12x1x64xf32> to vector<12x32x64xf32>
    %div3A_1730 = arith.divf %slice3A_1727, %div3A_1729 : vector<12x32x64xf32>
    %reshape3A_1731 = vector.shape_cast %div3A_1730 : vector<12x32x64xf32> to vector<384x64xf32>
    %convert_element_type3A_1732 = arith.truncf %reshape3A_1731 : vector<384x64xf32> to vector<384x64xbf16>
    %swap3A_1733 = arith.constant 0 : index
    %swap3A_1734 = arith.constant 1600 : index
    %swap3A_1735 = vector.load %arg18[%swap3A_1733, %swap3A_1734] : memref<384x1792xbf16, #tpu.memory_space<vmem>>, vector<384x64xbf16>
    tpu.vector_store %arg18[%swap3A_1733, %swap3A_1734], %convert_element_type3A_1732 {strides = array<i32>} : memref<384x1792xbf16, #tpu.memory_space<vmem>>, vector<384x64xbf16>,
    %get3A_1736 = arith.constant 0 : index
    %get3A_1737 = arith.constant 1664 : index
    %get3A_1738 = vector.load %arg17[%get3A_1736, %get3A_1737] : memref<384x1792xbf16, #tpu.memory_space<vmem>>, vector<384x64xbf16>
    %reshape3A_1739 = vector.shape_cast %get3A_1738 : vector<384x64xbf16> to vector<12x32x64xbf16>
    %get3A_1740 = arith.constant 0 : index
    %get3A_1741 = arith.constant 3328 : index
    %get3A_1742 = vector.load %arg15[%get3A_1740, %get3A_1741] : memref<384x3712xbf16, #tpu.memory_space<vmem>>, vector<384x256xbf16>
    %reshape3A_1743 = vector.shape_cast %get3A_1742 : vector<384x256xbf16> to vector<12x32x256xbf16>
    %get3A_1744 = arith.constant 0 : index
    %get3A_1745 = arith.constant 3328 : index
    %get3A_1746 = vector.load %arg16[%get3A_1744, %get3A_1745] : memref<480x3712xbf16, #tpu.memory_space<vmem>>, vector<480x256xbf16>
    %reshape3A_1747 = vector.shape_cast %get3A_1746 : vector<480x256xbf16> to vector<12x40x256xbf16>
    %dot_general3A_1748 = arith.constant dense<0.000000e+00> : vector<12x64x256xf32>
    %dot_general3A_1749 = tpu.matmul %reshape3A_1739, %reshape3A_1743, %dot_general3A_1748 {dimension_numbers = #tpu.dot_dimension_numbers<[1], [1], [2], [2], [0, 0, 0, 2, 1, 2], [0], [0]>, transpose_lhs_hint = false} : vector<12x32x64xbf16>, vector<12x32x256xbf16>, vector<12x64x256xf32> -> vector<12x64x256xf32>
    %broadcast_in_dim3A_1750 = vector.shape_cast %get3A_959 : vector<64x256xf32> to vector<1x64x256xf32>
    %add3A_1751 = vector.broadcast %broadcast_in_dim3A_1750 : vector<1x64x256xf32> to vector<12x64x256xf32>
    %add3A_1752 = arith.addf %dot_general3A_1749, %add3A_1751 : vector<12x64x256xf32>
    %exp3A_1753 = math.exp %add3A_1752 : vector<12x64x256xf32>
    %convert_element_type3A_1754 = arith.truncf %exp3A_1753 : vector<12x64x256xf32> to vector<12x64x256xbf16>
    %dot_general3A_1755 = arith.constant dense<0.000000e+00> : vector<12x40x64xf32>
    %dot_general3A_1756 = tpu.matmul %reshape3A_1747, %convert_element_type3A_1754, %dot_general3A_1755 {dimension_numbers = #tpu.dot_dimension_numbers<[2], [2], [1], [1], [0, 0, 0, 1, 1, 1], [0], [0]>, transpose_lhs_hint = false} : vector<12x40x256xbf16>, vector<12x64x256xbf16>, vector<12x40x64xf32> -> vector<12x40x64xf32>
    %slice3A_1757 = vector.extract_strided_slice %dot_general3A_1756 {offsets = [0, 0, 0], sizes = [12, 32, 64], strides = [1, 1, 1]} : vector<12x40x64xf32> to vector<12x32x64xf32>
    %slice3A_1758 = vector.extract_strided_slice %dot_general3A_1756 {offsets = [0, 32, 0], sizes = [12, 1, 64], strides = [1, 1, 1]} : vector<12x40x64xf32> to vector<12x1x64xf32>
    %div3A_1759 = vector.broadcast %slice3A_1758 : vector<12x1x64xf32> to vector<12x32x64xf32>
    %div3A_1760 = arith.divf %slice3A_1757, %div3A_1759 : vector<12x32x64xf32>
    %reshape3A_1761 = vector.shape_cast %div3A_1760 : vector<12x32x64xf32> to vector<384x64xf32>
    %convert_element_type3A_1762 = arith.truncf %reshape3A_1761 : vector<384x64xf32> to vector<384x64xbf16>
    %swap3A_1763 = arith.constant 0 : index
    %swap3A_1764 = arith.constant 1664 : index
    %swap3A_1765 = vector.load %arg18[%swap3A_1763, %swap3A_1764] : memref<384x1792xbf16, #tpu.memory_space<vmem>>, vector<384x64xbf16>
    tpu.vector_store %arg18[%swap3A_1763, %swap3A_1764], %convert_element_type3A_1762 {strides = array<i32>} : memref<384x1792xbf16, #tpu.memory_space<vmem>>, vector<384x64xbf16>,
    %get3A_1766 = arith.constant 0 : index
    %get3A_1767 = arith.constant 1728 : index
    %get3A_1768 = vector.load %arg17[%get3A_1766, %get3A_1767] : memref<384x1792xbf16, #tpu.memory_space<vmem>>, vector<384x64xbf16>
    %reshape3A_1769 = vector.shape_cast %get3A_1768 : vector<384x64xbf16> to vector<12x32x64xbf16>
    %get3A_1770 = arith.constant 0 : index
    %get3A_1771 = arith.constant 3456 : index
    %get3A_1772 = vector.load %arg15[%get3A_1770, %get3A_1771] : memref<384x3712xbf16, #tpu.memory_space<vmem>>, vector<384x256xbf16>
    %reshape3A_1773 = vector.shape_cast %get3A_1772 : vector<384x256xbf16> to vector<12x32x256xbf16>
    %get3A_1774 = arith.constant 0 : index
    %get3A_1775 = arith.constant 3456 : index
    %get3A_1776 = vector.load %arg16[%get3A_1774, %get3A_1775] : memref<480x3712xbf16, #tpu.memory_space<vmem>>, vector<480x256xbf16>
    %reshape3A_1777 = vector.shape_cast %get3A_1776 : vector<480x256xbf16> to vector<12x40x256xbf16>
    %dot_general3A_1778 = arith.constant dense<0.000000e+00> : vector<12x64x256xf32>
    %dot_general3A_1779 = tpu.matmul %reshape3A_1769, %reshape3A_1773, %dot_general3A_1778 {dimension_numbers = #tpu.dot_dimension_numbers<[1], [1], [2], [2], [0, 0, 0, 2, 1, 2], [0], [0]>, transpose_lhs_hint = false} : vector<12x32x64xbf16>, vector<12x32x256xbf16>, vector<12x64x256xf32> -> vector<12x64x256xf32>
    %broadcast_in_dim3A_1780 = vector.shape_cast %get3A_959 : vector<64x256xf32> to vector<1x64x256xf32>
    %add3A_1781 = vector.broadcast %broadcast_in_dim3A_1780 : vector<1x64x256xf32> to vector<12x64x256xf32>
    %add3A_1782 = arith.addf %dot_general3A_1779, %add3A_1781 : vector<12x64x256xf32>
    %exp3A_1783 = math.exp %add3A_1782 : vector<12x64x256xf32>
    %convert_element_type3A_1784 = arith.truncf %exp3A_1783 : vector<12x64x256xf32> to vector<12x64x256xbf16>
    %dot_general3A_1785 = arith.constant dense<0.000000e+00> : vector<12x40x64xf32>
    %dot_general3A_1786 = tpu.matmul %reshape3A_1777, %convert_element_type3A_1784, %dot_general3A_1785 {dimension_numbers = #tpu.dot_dimension_numbers<[2], [2], [1], [1], [0, 0, 0, 1, 1, 1], [0], [0]>, transpose_lhs_hint = false} : vector<12x40x256xbf16>, vector<12x64x256xbf16>, vector<12x40x64xf32> -> vector<12x40x64xf32>
    %slice3A_1787 = vector.extract_strided_slice %dot_general3A_1786 {offsets = [0, 0, 0], sizes = [12, 32, 64], strides = [1, 1, 1]} : vector<12x40x64xf32> to vector<12x32x64xf32>
    %slice3A_1788 = vector.extract_strided_slice %dot_general3A_1786 {offsets = [0, 32, 0], sizes = [12, 1, 64], strides = [1, 1, 1]} : vector<12x40x64xf32> to vector<12x1x64xf32>
    %div3A_1789 = vector.broadcast %slice3A_1788 : vector<12x1x64xf32> to vector<12x32x64xf32>
    %div3A_1790 = arith.divf %slice3A_1787, %div3A_1789 : vector<12x32x64xf32>
    %reshape3A_1791 = vector.shape_cast %div3A_1790 : vector<12x32x64xf32> to vector<384x64xf32>
    %convert_element_type3A_1792 = arith.truncf %reshape3A_1791 : vector<384x64xf32> to vector<384x64xbf16>
    %swap3A_1793 = arith.constant 0 : index
    %swap3A_1794 = arith.constant 1728 : index
    %swap3A_1795 = vector.load %arg18[%swap3A_1793, %swap3A_1794] : memref<384x1792xbf16, #tpu.memory_space<vmem>>, vector<384x64xbf16>
    tpu.vector_store %arg18[%swap3A_1793, %swap3A_1794], %convert_element_type3A_1792 {strides = array<i32>} : memref<384x1792xbf16, #tpu.memory_space<vmem>>, vector<384x64xbf16>,
    %get3A_1796 = arith.constant 0 : index
    %get3A_1797 = arith.constant 0 : index
    %get3A_1798 = vector.load %arg7[%get3A_1796, %get3A_1797] : memref<384x384xbf16, #tpu.memory_space<vmem>>, vector<384x384xbf16>
    %get3A_1799 = arith.constant 0 : index
    %get3A_1800 = arith.constant 0 : index
    %get3A_1801 = vector.load %arg18[%get3A_1799, %get3A_1800] : memref<384x1792xbf16, #tpu.memory_space<vmem>>, vector<384x1792xbf16>
    %dot_general3A_1802 = arith.constant dense<0.000000e+00> : vector<384x1792xf32>
    %dot_general3A_1803 = tpu.matmul %get3A_1798, %get3A_1801, %dot_general3A_1802 {dimension_numbers = #tpu.dot_dimension_numbers<[1], [0], [0], [1], [0, 0, 1, 1], [], []>, transpose_lhs_hint = false} : vector<384x384xbf16>, vector<384x1792xbf16>, vector<384x1792xf32> -> vector<384x1792xf32>
    %get3A_1804 = arith.constant 0 : index
    %get3A_1805 = arith.constant 0 : index
    %get3A_1806 = vector.load %arg11[%get3A_1804, %get3A_1805] : memref<384x1xf32, #tpu.memory_space<vmem>>, vector<384x1xf32>
    %add3A_1807 = vector.broadcast %get3A_1806 : vector<384x1xf32> to vector<384x1792xf32>
    %add3A_1808 = arith.addf %dot_general3A_1803, %add3A_1807 : vector<384x1792xf32>
    %convert_element_type3A_1809 = arith.truncf %add3A_1808 : vector<384x1792xf32> to vector<384x1792xbf16>
    %swap3A_1810 = arith.constant 0 : index
    %swap3A_1811 = arith.constant 0 : index
    %swap3A_1812 = arith.constant 0 : index
    %swap3A_1813 = vector.load %arg12[%swap3A_1810, %swap3A_1811, %swap3A_1812] : memref<1x384x1792xbf16, #tpu.memory_space<vmem>>, vector<1x384x1792xbf16>
    %swap3A_1814 = vector.shape_cast %swap3A_1813 : vector<1x384x1792xbf16> to vector<384x1792xbf16>
    %swap3A_1815 = vector.shape_cast %convert_element_type3A_1809 : vector<384x1792xbf16> to vector<1x384x1792xbf16>
    tpu.vector_store %arg12[%swap3A_1810, %swap3A_1811, %swap3A_1812], %swap3A_1815 {strides = array<i32>} : memref<1x384x1792xbf16, #tpu.memory_space<vmem>>, vector<1x384x1792xbf16>,
    return
  }
  func.func @transform_0(%arg0: i32) -> (i32, i32, i32) {
    %c0_i32 = arith.constant 0 : i32
    %c0_i32_0 = arith.constant 0 : i32
    %c0_i32_1 = arith.constant 0 : i32
    return %arg0, %c0_i32, %c0_i32_0 : i32, i32, i32
  }
  func.func @transform_1(%arg0: i32) -> (i32, i32, i32) {
    %add3A = arith.constant 1 : i32
    %add3A_0 = arith.addi %arg0, %add3A : i32
    %c0_i32 = arith.constant 0 : i32
    %c0_i32_1 = arith.constant 0 : i32
    %c0_i32_2 = arith.constant 0 : i32
    return %add3A_0, %c0_i32, %c0_i32_1 : i32, i32, i32
  }
  func.func @transform_2(%arg0: i32) -> (i32, i32) {
    %c0_i32 = arith.constant 0 : i32
    %c0_i32_0 = arith.constant 0 : i32
    %c0_i32_1 = arith.constant 0 : i32
    return %c0_i32, %c0_i32_0 : i32, i32
  }
  func.func @transform_3(%arg0: i32) -> (i32, i32) {
    %c0_i32 = arith.constant 0 : i32
    %c0_i32_0 = arith.constant 0 : i32
    %c0_i32_1 = arith.constant 0 : i32
    return %c0_i32, %c0_i32_0 : i32, i32
  }
  func.func @transform_4(%arg0: i32) -> (i32, i32) {
    %c0_i32 = arith.constant 0 : i32
    %c0_i32_0 = arith.constant 0 : i32
    %c0_i32_1 = arith.constant 0 : i32
    return %c0_i32, %c0_i32_0 : i32, i32
  }
  func.func @transform_5(%arg0: i32) -> (i32, i32) {
    %c0_i32 = arith.constant 0 : i32
    %c0_i32_0 = arith.constant 0 : i32
    %c0_i32_1 = arith.constant 0 : i32
    return %c0_i32, %c0_i32_0 : i32, i32
  }
  func.func @transform_6(%arg0: i32) -> (i32, i32) {
    %c0_i32 = arith.constant 0 : i32
    %c0_i32_0 = arith.constant 0 : i32
    %c0_i32_1 = arith.constant 0 : i32
    return %c0_i32, %c0_i32_0 : i32, i32
  }
  func.func @transform_7(%arg0: i32) -> (i32, i32) {
    %c0_i32 = arith.constant 0 : i32
    %c0_i32_0 = arith.constant 0 : i32
    %c0_i32_1 = arith.constant 0 : i32
    return %c0_i32, %c0_i32_0 : i32, i32
  }
  func.func @transform_8(%arg0: i32) -> (i32, i32) {
    %c0_i32 = arith.constant 0 : i32
    %c0_i32_0 = arith.constant 0 : i32
    %c0_i32_1 = arith.constant 0 : i32
    return %c0_i32, %c0_i32_0 : i32, i32
  }
  func.func @transform_9(%arg0: i32) -> (i32, i32) {
    %c0_i32 = arith.constant 0 : i32
    %c0_i32_0 = arith.constant 0 : i32
    %c0_i32_1 = arith.constant 0 : i32
    return %c0_i32, %c0_i32_0 : i32, i32
  }
  func.func @transform_10(%arg0: i32) -> (i32, i32) {
    %c0_i32 = arith.constant 0 : i32
    %c0_i32_0 = arith.constant 0 : i32
    %c0_i32_1 = arith.constant 0 : i32
    return %c0_i32, %c0_i32_0 : i32, i32
  }
  func.func @transform_11(%arg0: i32) -> (i32, i32, i32) {
    %c0_i32 = arith.constant 0 : i32
    %c0_i32_0 = arith.constant 0 : i32
    %c0_i32_1 = arith.constant 0 : i32
    return %arg0, %c0_i32, %c0_i32_0 : i32, i32, i32
  }
}

</mosaic_0001>

<sc_bundles>
// kernel: sparse-core-data-format-call.cloned.1.call-start
scs
called_computation_lowered:
.L_overlay_start_0:
0x0: {  	s2 =	sld [smem:$0x3FD9]  }
0x1: {  	s3 =	sld [smem:$0x3FFE];
	_ =	sdelay $0x1  }
0x2: {  	s1 =	srdreg.scid  }
0x3: {  	s0 =	sand.u32 $0x1, s1  }
0x4: {  	s18 =	sshll.u32 s0, $0xA;
	s2 =	sadd.s32 s3, s2  }
0x5: {  	s2 =	sadd.s32 s2, s18  }
0x6: {  	[smem:$0x3FBF] =	sst s2  }
0x7: {  	_ = 	snop  }
0x8: {  	s2 =	sld [smem:$0x3FD0];
	(tm) =	ssettm $0x1  }
0x9: {  	s19 =	sld [smem:$0x3FFB];
	_ =	sdelay $0x3  }
0xa: {  	_ =	strace s19  }
0xb: {  	s3 =	sld [smem:$0x3FFC];
	_ =	sdelay $0x3  }
0xc: {  	_ =	strace s3  }
0xd: {  	s3 =	sld [smem:$0x3FFD];
	_ =	sdelay $0x3  }
0xe: {  	_ =	strace s3  }
0xf: {  	_ =	strace $0x8FFFFFFF  }
0x10: {  	s20 =	sld [smem:$0x3FDB];
	_ =	sdelay $0x1  }
0x11: {  	s4 =	simm.s32 $_scs_section_size  }
0x12: {  	s5 =	simm.s32 $_size__tile_overlayer_lowered;
	s6 =	simm.s32 $_tile_overlayer_lowered  }
0x13: {  	s23 =	simm.s32 $0x1BFF;
	s22 =	sshll.u32 s6, $0x1;
	s3 =	sadd.s32 s4, s20  }
0x14: {  	s7 =	simm.s32 $0x0;
	s21 =	sshll.u32 s5, $0x1;
	s5 =	sadd.s32 s22, s3  }
0x15: {  	[timem:s7], [sflag:s23] =	dma.local [hbm:s5], s21  }
0x16: {  	_ =	swait.ge [sflag:s23], s21  }
0x17: {  	s4 =	ssub.s32 $0x0, s21;
	[sflag:s23] =	ssyncset.done $0x0  }
0x18: {  	[sflag:s23] =	ssyncadd.s32 s4;
	_ =	sdelay $0x1  }
0x19: {  	s24 =	simm.s32 $0x1B8B  }
0x1a: {  	_ =	swait.ge [sflag:s24], $0x1  }
0x1b: {  	[sflag:s24] =	ssyncset.done $0x0  }
0x1c: {  	s26 =	simm.s32 $0x1B8E;
	s25 =	sld [smem:$0x3FFE];
	[sflag:s24] =	ssyncadd.s32 $0xFFFFFFFF  }
0x1d: {  	s27 =	simm.s32 $execute0_lowered;
	[smem:$0x3FD2] =	sst s26  }
0x1e: {  	s5 =	sshll.u32 s27, $0x1;
	_ =	strace $0x80000046;
	[dreg:$0x1] =	wrdreg $0xFFFFFFFF  }
0x1f: {  	s28 =	simm.s32 $_size_execute0_lowered;
	s3 =	sadd.s32 s3, s5;
	[dreg:$0x0] =	wrdreg $0x0  }
0x20: {  	s5 =	sshll.u32 s28, $0x1;
	[dreg:$0x2] =	wrdreg s3  }
0x21: {  	[dreg:$0x3] =	wrdreg s5  }
0x22: {  	[dreg:$0x4] =	wrdreg $0xC0  }
0x23: {  	_ =	task [dreg:s7], $0x5FFFF  }
0x24: {  	[dreg:$0x1] =	wrdreg $0xFFFFFFFF  }
0x25: {  	[dreg:$0x0] =	wrdreg $0x60  }
0x26: {  	[dreg:$0x2] =	wrdreg s25  }
0x27: {  	[dreg:$0x3] =	wrdreg s2  }
0x28: {  	[dreg:$0x4] =	wrdreg $0x9  }
0x29: {  	_ =	task.clear_ibuf [dreg:s7], $0x5FFFF;
	_ =	strace $0x90000046  }
0x2a: {  	s29 =	simm.s32 $0x9;
	_ =	strace $0x80000048  }
0x2b: {  	_ =	swait.ge [sflag:s29], $0x1  }
0x2c: {  	[sflag:s29] =	ssyncadd.s32 $0xFFFFFFFF  }
0x2d: {  	_ =	strace $0x90000048  }
0x2e: {  	_ =	sfence  }
0x2f: {  	s30 =	sld [smem:$0x0];
	_ =	sdelay $0x2  }
0x30: {  	s31 =	sshll.u32 s1, $0xD;
	s1 =	sshrl.u32 s1, $0x2  }
0x31: {  	s3 =	sand.u32 $0x4000, s31;
	s1 =	sadd.s32 s1, s30  }
0x32: {  	s0 =	sor.u32 s3, s0;
	s1 =	sshll.u32 s1, $0x11  }
0x33: {  	s0 =	sor.u32 s1, s0  }
0x34: {  	s0 =	sadd.s32 $0x8F2B, s0  }
0x35: {  	[sflag:s0] =	ssyncadd.remote.s32 $0x1  }
0x36: {  	_ =	sfence.sel $0xFFFF  }
0x37: {  	[dreg:$0x0] =	wrdreg $0xFFFFFFFF;
	(pc) =	sbr.abs _section_cstart, $3  }
0x38: {  	[dreg:$0x1] =	wrdreg $0xFFFFFFFF  }
0x39: {  	_ =	task.clear_ibuf [dreg:s7], $0x2FFFF;
	_ =	strace $0x9FFFFFFF  }
0x3a: {  	(tm) =	ssettm $0x7FFFFFFF  }
0x3b: {  	_ =	shalt  }
tec
execute0_lowered:
.L_overlay_start_1:
0x0: {  	(tag) =	ssettag $0x1  }
0x1: {  	s8 =	rddreg [dreg:$0x0]  }
0x2: {  	s0 =	stileid.u32;
	s1 =	srdreg.scid  }
0x3: {  	s2 =	rddreg [dreg:$0x1];
	s31 =	simm.s32 $0x2;
	s19 =	simm.s32 $0x0  }
0x4: {  	s21 =	simm.s32 $0x0;
	s17 =	simm.s32 $0x0;
	s18 =	simm.s32 $0x0  }
0x5: {  	s20 =	simm.s32 $0x0;
	s11 =	simm.s32 $0x0;
	s12 =	simm.s32 $0x0  }
0x6: {  	s13 =	simm.s32 $0x0;
	s16 =	simm.s32 $0x0;
	s3 =	sand.u32 $0x1, s1  }
0x7: {  	s4 =	sshll.u32 s0, $0x1;
	s1 =	rddreg [dreg:$0x2];
	_ =	strace $0x80000047  }
0x8: {  	s5 =	sadd.s32 $0x126A00, s8;
	s7 =	ssub.s32 $0x1C, s4;
	s6 =	ssub.s32 $0x1C, s3  }
0x9: {  	s8 =	sadd.s32 $0x13BA00, s8;
	p0 =	sgt.s32 s7, $0x0;
	s9 =	sshrl.u32 s6, $0x1  }
.Ltmp0:
0xa: {  	s7 =	simm.s32 @!p0 $0x0;
	s9 =	ssub.s32 s6, s9;
	(pc) =	sbr.rel .LBB1_1-.Ltmp0, $4  }
0xb: {  	s6 =	simm.s32 $0x1;
	s10 =	sand.u32 $0x1E, s7;
	s7 =	smul.u32 $0x3, s9  }
0xc: {  	s14 =	smov.u32 s3;
	[sflag:s6] =	ssyncpa.u1 $0x0;
	p0 =	seq.s32 s10, $0x0  }
0xd: {  	s15 =	smov.u32 s4;
	[sflag:s31] =	ssyncpa.u1 $0x0;
	s7 =	simm.s32 @p0 $0x0  }
0xe: {  	s10 =	simm.s32 $0x15000;
	p0 =	por $0x0, $0x0;
	s9 =	sadd.s32 $0x1, s7  }
.LBB1_9:
0xf: {  	s22 =	sadd.s32 $0x80, s11  }
0x10: {  	s17 =	sadd.s32 $0x8, s12;
	s23 =	smov.u32 s12;
	p2 =	sgt.s32 s22, $0x17F  }
0x11: {  	s23 =	smov.u32 @p2 s17  }
0x12: {  	s24 =	smov.u32 s13;
	s17 =	sadd.s32 $0x8, s13;
	p3 =	sgt.s32 s23, $0x7  }
0x13: {  	s24 =	smov.u32 @p3 s17  }
0x14: {  	s25 =	smov.u32 s14;
	s17 =	sadd.s32 $0x2, s14;
	p4 =	sgt.s32 s24, $0x7  }
0x15: {  	p1 =	slt.u32 s16, $0x2;
	s26 =	smov.u32 s15;
	s25 =	smov.u32 @p4 s17  }
0x16: {  	s19 =	smov.u32 s11;
	s17 =	sadd.s32 $0x20, s15;
	p5 =	sgt.s32 s25, $0x1B  }
0x17: {  	s21 =	smov.u32 s12;
	s18 =	smov.u32 s14;
	s26 =	smov.u32 @p5 s17  }
0x18: {  	s20 =	smov.u32 s15;
	s22 =	simm.s32 @p2 $0x0;
	p2 =	sgt.s32 s26, $0x1B  }
0x19: {  	s27 =	simm.s32 @!p1 $0x2;
	s26 =	smov.u32 @p2 s4;
	p2 =	sne.s32 s16, s9  }
.Ltmp1:
0x1a: {  	p0 =	por !p0, !p0;
	_ =	swait.ge @!p1 [sflag:s27], $0x4000;
	(pc) =	sbr.rel @!p2 .LBB1_10-.Ltmp1, $4  }
0x1b: {  	[sflag:s27] =	ssyncset.done @!p1 $0x0;
	s11 =	smov.u32 s22;
	s23 =	simm.s32 @p3 $0x0  }
0x1c: {  	[sflag:s27] =	ssyncadd.s32 @!p1 $0xFFFFC000;
	s12 =	smov.u32 s23;
	s24 =	simm.s32 @p4 $0x0  }
0x1d: {  	s25 =	smov.u32 @p5 s3;
	s17 =	smov.u32 s13;
	s13 =	smov.u32 s24  }
0x1e: {  	s14 =	smov.u32 s25;
	s16 =	sadd.s32 $0x1, s16;
	s15 =	smov.u32 s26  }
.LBB1_1:
0x1f: {  	p1 =	sge.u32 s16, s7  }
0x20: {  	s22 =	sshrl.u32 @!p1 s12, $0x3  }
0x21: {  	s23 =	sshll.u32 @!p1 s11, $0x3;
	s22 =	smul.u32 @!p1 $0xC00, s22  }
0x22: {  	s24 =	sshll.u32 @!p1 s12, $0x7;
	s23 =	sand.u32 @!p1 $0xFFFFFC00, s23  }
0x23: {  	s22 =	sadd.s32 @!p1 s22, s23;
	s23 =	sand.u32 @!p1 $0x380, s24  }
0x24: {  	s26 =	smul.u32 @!p1 $0x15000, s15;
	s24 =	sand.u32 @!p1 $0x7F, s11;
	s22 =	sor.u32 @!p1 s23, s22  }
0x25: {  	s27 =	smul.u32 @!p1 $0xC00, s14;
	s23 =	sor.u32 @!p1 s24, s22  }
0x26: {  	s24 =	smulhi.u32 @!p1 $0xAAAAAAAB, s23  }
0x27: {  	s22 =	smulhi.u32 @!p1 $0xAAAAAAAB, s22  }
0x28: {  	s28 =	smul.u32 @!p1 $0x180, s13;
	s24 =	sshrl.u32 @!p1 s24, $0x8  }
0x29: {  	s25 =	sxor.u32 @!p1 $0xFFFFFFFF, s16;
	s22 =	sshrl.u32 @!p1 s22, $0x8;
	s24 =	smul.u32 @!p1 $0x180, s24  }
0x2a: {  	s30 =	simm.s32 @!p1 $0xC00;
	s29 =	sadd.s32 @!p1 s5, s26;
	s22 =	sand.u32 @!p1 $0x7, s22  }
0x2b: {  	s22 =	smul.u32 @!p1 $0x30, s22;
	s23 =	ssub.s32 @!p1 s23, s24;
	s24 =	sadd.s32 @!p1 s27, s29  }
0x2c: {  	s25 =	sshll.u32 @!p1 s25, $0xE;
	s24 =	sadd.s32 @!p1 s28, s24;
	s29 =	sand.u32 @!p1 $0x7, s23  }
0x2d: {  	s23 =	sshrl.u32 @!p1 s23, $0x3;
	s24 =	sadd.s32 @!p1 s22, s24;
	s29 =	sshll.u32 @!p1 s29, $0x12  }
0x2e: {  	s25 =	sand.u32 @!p1 $0x4000, s25;
	s24 =	sadd.s32 @!p1 s23, s24;
	s29 =	sor.u32 @!p1 $0x400, s29  }
0x2f: {  	[tilespmem:s25], [sflag:$0x1] =	stream.strided.gather @!p1 [hbm4b:s24+s29], $0x2000, s30, s29, $0x38;
	[tilespmem:$0x10000] =	vst v63  }
0x30: {  	s24 =	sadd.s32 @!p1 s26, s8  }
0x31: {  	s24 =	sadd.s32 @!p1 s27, s24  }
0x32: {  	s24 =	sadd.s32 @!p1 s28, s24  }
0x33: {  	s22 =	sadd.s32 @!p1 s22, s24  }
0x34: {  	s31 =	sadd.s32 $0xFFFFFFFF, s16;
	s22 =	sadd.s32 @!p1 s23, s22;
	s23 =	sor.u32 @!p1 $0x2000, s25  }
0x35: {  	[tilespmem:s23], [sflag:$0x1] =	stream.strided.gather @!p1 [hbm4b:s22+s29], $0x2000, s30, s29, $0x38;
	[tilespmem:$0x10000] =	vst v63  }
0x36: {  	p1 =	sge.u32 s31, s7  }
.Ltmp2:
0x37: {  	_ = 	snop;
	(pc) =	sbr.rel @p1 .LBB1_9-.Ltmp2, $1  }
0x38: {  	_ =	sdelay $0x3  }
0x39: {  	s22 =	simm.s32 $0x1;
	_ =	swait.ge [sflag:s6], $0x4000  }
0x3a: {  	s23 =	sshll.u32 s16, $0xE;
	s25 =	simm.s32 $0x0;
	s22 =	simm.s32 @!p0 $0x0  }
0x3b: {  	p2 =	por $0x1, $0x1;
	[sflag:s6] =	ssyncset.done $0x0;
	s22 =	sshll.u32 s22, $0x10  }
0x3c: {  	s23 =	sand.u32 $0x4000, s23;
	[sflag:s6] =	ssyncadd.s32 $0xFFFFC000;
	s24 =	sshrl.u32 s22, $0x2  }
0x3d: {  	s22 =	sor.u32 $0x8000, s23;
	s23 =	sadd.s32 $0x8040, s24;
	s24 =	sadd.s32 $0x40, s24  }
.LBB1_3:
0x3e: {  	s25 =	sshll.u32 s25, $0x2  }
0x3f: {  	p1 =	por p2, p2;
	s26 =	sshra.s32 s25, $0x2  }
0x40: {  	s27 =	simm.s32 $0x0;
	s25 =	sadd.s32 s26, s23;
	s26 =	sadd.s32 s26, s24  }
.LBB1_4:
0x41: {  	v1 =	vmov s26;
	_ =	sdelay $0x3  }
0x42: {  	s28 =	simm.s32 $0x0  }
0x43: {  	v7 =	vld.idx.msk [tilespmem:v1+s28+$0x30 ss:$0x1], $0xffff  }
0x44: {  	v0 =	vmov s25;
	v8 =	vld.idx.msk [tilespmem:v1+s28+$0xFFFFFFC0 ss:$0x1], $0xffff  }
0x45: {  	v6 =	vld.idx.msk [tilespmem:v1+s28+$0xFFFFFFD0 ss:$0x1], $0xffff  }
0x46: {  	v5 =	vld.idx.msk [tilespmem:v1+s28+$0xFFFFFFE0 ss:$0x1], $0xffff  }
0x47: {  	v4 =	vld.idx.msk [tilespmem:v1+s28+$0xFFFFFFF0 ss:$0x1], $0xffff  }
0x48: {  	v2 =	vld.idx.msk [tilespmem:v1+s28+$0x0 ss:$0x1], $0xffff  }
0x49: {  	v3 =	vld.idx.msk [tilespmem:v1+s28+$0x10 ss:$0x1], $0xffff;
	[tilespmem:v0+s28+$0x30 ss:$0x1] =	vst.idx.msk $0xffff, v7  }
0x4a: {  	s29 =	simm.s32 $0x80;
	s30 =	simm.s32 $0x400;
	[tilespmem:v0+s28+$0xFFFFFFC0 ss:$0x1] =	vst.idx.msk $0xffff, v8;
	v7 =	vld.idx.msk [tilespmem:v1+s28+$0x20 ss:$0x1], $0xffff  }
.LBB1_5:
0x4b: {  	p2 =	sne.s32 s30, $0xE00;
	v8 =	vld.idx.msk [tilespmem:v1+s29+$0x30 ss:$0x1], $0xffff;
	[tilespmem:v0+s28+$0xFFFFFFD0 ss:$0x1] =	vst.idx.msk $0xffff, v6  }
0x4c: {  	v9 =	vld.idx.msk [tilespmem:v1+s29+$0xFFFFFFC0 ss:$0x1], $0xffff;
	[tilespmem:v0+s28+$0xFFFFFFE0 ss:$0x1] =	vst.idx.msk $0xffff, v5  }
0x4d: {  	v6 =	vld.idx.msk [tilespmem:v1+s29+$0xFFFFFFD0 ss:$0x1], $0xffff;
	[tilespmem:v0+s28+$0xFFFFFFF0 ss:$0x1] =	vst.idx.msk $0xffff, v4  }
.Ltmp3:
0x4e: {  	v5 =	vld.idx.msk [tilespmem:v1+s29+$0xFFFFFFE0 ss:$0x1], $0xffff;
	[tilespmem:v0+s28+$0x0 ss:$0x1] =	vst.idx.msk $0xffff, v2;
	(pc) =	sbr.rel @p2 .LBB1_5-.Ltmp3, $4  }
0x4f: {  	v4 =	vld.idx.msk [tilespmem:v1+s29+$0xFFFFFFF0 ss:$0x1], $0xffff;
	[tilespmem:v0+s28+$0x10 ss:$0x1] =	vst.idx.msk $0xffff, v3  }
0x50: {  	v2 =	vld.idx.msk [tilespmem:v1+s29+$0x0 ss:$0x1], $0xffff;
	[tilespmem:v0+s28+$0x20 ss:$0x1] =	vst.idx.msk $0xffff, v7;
	s28 =	smov.u32 s29  }
0x51: {  	v3 =	vld.idx.msk [tilespmem:v1+s28+$0x10 ss:$0x1], $0xffff;
	[tilespmem:v0+s28+$0x30 ss:$0x1] =	vst.idx.msk $0xffff, v8  }
0x52: {  	s29 =	sshra.s32 s30, $0x2;
	s30 =	sadd.s32 $0x200, s30;
	[tilespmem:v0+s28+$0xFFFFFFC0 ss:$0x1] =	vst.idx.msk $0xffff, v9;
	v7 =	vld.idx.msk [tilespmem:v1+s28+$0x20 ss:$0x1], $0xffff  }
0x53: {  	_ =	sdelay $0x3  }
0x54: {  	[tilespmem:v0+s28+$0xFFFFFFD0 ss:$0x1] =	vst.idx.msk $0xffff, v6  }
0x55: {  	v56 =	vld.idx.msk [tilespmem:v1+s29+$0x30 ss:$0x1], $0xffff;
	[tilespmem:v0+s28+$0xFFFFFFE0 ss:$0x1] =	vst.idx.msk $0xffff, v5  }
0x56: {  	v57 =	vld.idx.msk [tilespmem:v1+s29+$0xFFFFFFC0 ss:$0x1], $0xffff;
	[tilespmem:v0+s28+$0xFFFFFFF0 ss:$0x1] =	vst.idx.msk $0xffff, v4  }
0x57: {  	v58 =	vld.idx.msk [tilespmem:v1+s29+$0xFFFFFFD0 ss:$0x1], $0xffff;
	[tilespmem:v0+s28+$0x0 ss:$0x1] =	vst.idx.msk $0xffff, v2  }
0x58: {  	v59 =	vld.idx.msk [tilespmem:v1+s29+$0xFFFFFFE0 ss:$0x1], $0xffff;
	[tilespmem:v0+s28+$0x10 ss:$0x1] =	vst.idx.msk $0xffff, v3  }
0x59: {  	v60 =	vld.idx.msk [tilespmem:v1+s29+$0xFFFFFFF0 ss:$0x1], $0xffff;
	[tilespmem:v0+s28+$0x20 ss:$0x1] =	vst.idx.msk $0xffff, v7  }
0x5a: {  	v61 =	vld.idx.msk [tilespmem:v1+s29+$0x0 ss:$0x1], $0xffff;
	[tilespmem:v0+s29+$0x30 ss:$0x1] =	vst.idx.msk $0xffff, v56  }
0x5b: {  	v62 =	vld.idx.msk [tilespmem:v1+s29+$0x10 ss:$0x1], $0xffff;
	s27 =	sadd.s32 $0x1, s27;
	[tilespmem:v0+s29+$0xFFFFFFC0 ss:$0x1] =	vst.idx.msk $0xffff, v57  }
0x5c: {  	v63 =	vld.idx.msk [tilespmem:v1+s29+$0x20 ss:$0x1], $0xffff;
	p2 =	sne.s32 s27, $0x8;
	[tilespmem:v0+s29+$0xFFFFFFD0 ss:$0x1] =	vst.idx.msk $0xffff, v58  }
.Ltmp4:
0x5d: {  	[tilespmem:v0+s29+$0xFFFFFFE0 ss:$0x1] =	vst.idx.msk $0xffff, v59;
	(pc) =	sbr.rel @p2 .LBB1_4-.Ltmp4, $4  }
0x5e: {  	[tilespmem:v0+s29+$0xFFFFFFF0 ss:$0x1] =	vst.idx.msk $0xffff, v60  }
0x5f: {  	[tilespmem:v0+s29+$0x0 ss:$0x1] =	vst.idx.msk $0xffff, v61  }
0x60: {  	[tilespmem:v0+s29+$0x10 ss:$0x1] =	vst.idx.msk $0xffff, v62  }
0x61: {  	s25 =	sadd.s32 $0x400, s25;
	s26 =	sadd.s32 $0x400, s26;
	[tilespmem:v0+s29+$0x20 ss:$0x1] =	vst.idx.msk $0xffff, v63  }
.Ltmp5:
0x62: {  	(pc) =	sbr.rel @p1 .LBB1_3-.Ltmp5, $2  }
0x63: {  	_ =	sdelay $0x2  }
0x64: {  	s25 =	simm.s32 $0x2000;
	p2 =	por $0x0, $0x0  }
0x65: {  	s23 =	sshrl.u32 s21, $0x3  }
0x66: {  	s24 =	sshll.u32 s19, $0x3;
	s23 =	smul.u32 $0xC00, s23  }
0x67: {  	s28 =	sshll.u32 s21, $0x7;
	s24 =	sand.u32 $0xFFFFFC00, s24  }
0x68: {  	s21 =	sand.u32 $0x380, s28;
	s23 =	sadd.s32 s23, s24  }
0x69: {  	s29 =	sand.u32 $0x7F, s19;
	s20 =	smul.u32 $0x15000, s20;
	s21 =	sor.u32 s21, s23  }
0x6a: {  	s19 =	sor.u32 s29, s21;
	s21 =	smulhi.u32 $0xAAAAAAAB, s21  }
0x6b: {  	s30 =	smulhi.u32 $0xAAAAAAAB, s19  }
0x6c: {  	s18 =	smul.u32 $0x180, s18  }
0x6d: {  	s17 =	smul.u32 $0x2A00, s17;
	s21 =	sshrl.u32 s21, $0x8;
	s23 =	sshrl.u32 s30, $0x8  }
0x6e: {  	s21 =	sand.u32 $0x7, s21;
	s23 =	smul.u32 $0x180, s23  }
0x6f: {  	s20 =	sadd.s32 s2, s20;
	s21 =	smul.u32 $0x30, s21  }
.Ltmp6:
0x70: {  	s18 =	sadd.s32 s18, s20;
	s19 =	ssub.s32 s19, s23;
	(pc) =	sbr.rel .LBB1_9-.Ltmp6, $4  }
0x71: {  	s17 =	sadd.s32 s17, s18;
	s31 =	sand.u32 $0x7, s19  }
0x72: {  	s17 =	sadd.s32 s21, s17;
	s19 =	sshrl.u32 s19, $0x3;
	s18 =	sshll.u32 s31, $0x12  }
0x73: {  	s17 =	sadd.s32 s19, s17;
	s18 =	sor.u32 $0x400, s18  }
0x74: {  	[hbm4b:s17+s18] =	stream.strided.scatter [tilespmem:s22], [sflag:$0x2], $0x4000, s10, s18, $0x38;
	[tilespmem:$0x10000] =	vst v63  }
.LBB1_10:
0x75: {  	_ =	sfence.sel $0x180000  }
0x76: {  	s2 =	simm.s32 $0x1;
	[bflag:$0x0] =	sbarrier.arrive $0xFFFF  }
0x77: {  	s31 =	simm.s32 $0x2;
	[sflag:s2] =	ssyncpa.u1 $0x1  }
0x78: {  	[sflag:s31] =	ssyncpa.u1 $0x1  }
0x79: {  	p0 =	sne.s32 s0, $0x0;
	_ =	strace $0x90000047  }
0x7a: {  	s0 =	sadd.s32 @!p0 $0x100000, s1;
	[bflag:$0x2] =	sbarrier.arrive $0xFFFF  }
0x7b: {  	[sflag:s0] =	ssyncadd.tile.s32 @!p0 $0x1;
	_ =	shalt  }
.Lfunc_end1:
_tile_overlayer_lowered:
.L_overlay_start_2:
0x7c: {  	(tag) =	ssettag $0x2  }
0x7d: {  	s0 =	rddreg [dreg:$0x0];
	s2 =	stileid.u32  }
0x7e: {  	s1 =	rddreg [dreg:$0x1];
	p0 =	sne.s32 s2, $0x0  }
0x7f: {  	s3 =	rddreg [dreg:$0x2];
	[bflag:$0x3] =	sbarrier.arrive $0xFFFF;
	s2 =	simm.s32 @!p0 $0x1C01  }
0x80: {  	[timem:s3], [sflag:s2] =	dma.local @!p0 [hbm:s0], s1  }
0x81: {  	s0 =	simm.s32 @!p0 $0x1  }
0x82: {  	_ =	swait.ge @!p0 [sflag:s0], s1  }
0x83: {  	s1 =	ssub.s32 @!p0 $0x0, s1;
	[sflag:s0] =	ssyncset.done @!p0 $0x0  }
0x84: {  	[sflag:s0] =	ssyncadd.s32 @!p0 s1  }
0x85: {  	[bflag:$0x3] =	sbarrier.arrive $0xFFFF  }
0x86: {  	_ =	shalt  }

</sc_bundles>
